<compile_context>
chip_gen: v7x
topology: tpu7x:2x2x1
jax: 0.10.2.dev20260603
libtpu: 0.0.44.dev20260713+nightly
codegen_flags: <defaults>
</compile_context>

<pallas_src>
import functools

import jax
import jax.numpy as jnp
from jax import lax
from jax.experimental import pallas as pl
from jax.experimental.pallas import tpu as pltpu
from jax.experimental.pallas import tpu_sc as plsc

N_NODES = 10000
N_EDGES = 320000
D = 128
DH = D // 2
N_GRAPHS = 64

NC = 2
NS = 16
E_PER_TILE = N_EDGES // NS
CHUNK = 125
NCHUNK_AGG = E_PER_TILE // CHUNK
E_PER_W = N_EDGES // (NC * NS)
NCHUNK_DEG = E_PER_W // CHUNK
WB = 624
ZCHUNK = 208
TAIL_OFF = NS * WB
TAIL = N_NODES - TAIL_OFF

_MESH = plsc.VectorSubcoreMesh(
    core_axis_name="c", subcore_axis_name="s", num_cores=NC, num_subcores=NS)
_SC_PARAMS = pltpu.CompilerParams(use_tc_tiling_on_sc=False)


def _fill(ref, nrow, ncol, val):
    v = jnp.full((16,), val, jnp.float32)

    def body(i, _):
        for k in range(ncol // 16):
            ref[i, pl.ds(k * 16, 16)] = v
        return 0

    lax.fori_loop(0, nrow, body, 0)


def _zero_acc(zbuf, acc_sh, sid, ncol):
    _fill(zbuf, ZCHUNK, ncol, 0.0)
    for t in range(3):
        pltpu.sync_copy(zbuf, acc_sh.at[pl.ds(sid * WB + t * ZCHUNK, ZCHUNK)])

    @pl.when(sid == 0)
    def _():
        pltpu.sync_copy(zbuf.at[pl.ds(0, TAIL)], acc_sh.at[pl.ds(TAIL_OFF, TAIL)])


def _writeback(acc_sh, out_hbm, cid, sid):
    rows = pl.ds(sid * WB, WB)
    pltpu.sync_copy(acc_sh.at[rows], out_hbm.at[cid, rows])

    @pl.when(sid == 0)
    def _():
        tl = pl.ds(TAIL_OFF, TAIL)
        pltpu.sync_copy(acc_sh.at[tl], out_hbm.at[cid, tl])


def _sc_deg_body(dst_hbm, out_hbm, idx_v, ones_v, zbuf, acc_sh, sem):
    cid = lax.axis_index("c")
    sid = lax.axis_index("s")
    _zero_acc(zbuf, acc_sh, sid, 16)
    plsc.subcore_barrier()

    _fill(ones_v, CHUNK, 16, 1.0)
    pltpu.sync_copy(dst_hbm.at[cid, sid], idx_v)

    def body(j, _):
        pltpu.sync_copy(ones_v, acc_sh.at[idx_v.at[j]], add=True)
        return 0

    lax.fori_loop(0, NCHUNK_DEG, body, 0)
    plsc.subcore_barrier()
    _writeback(acc_sh, out_hbm, cid, sid)


@functools.partial(
    pl.kernel,
    out_type=jax.ShapeDtypeStruct((NC, N_NODES, 16), jnp.float32),
    mesh=_MESH,
    scratch_types=[
        pltpu.VMEM((NCHUNK_DEG, CHUNK), jnp.int32),
        pltpu.VMEM((CHUNK, 16), jnp.float32),
        pltpu.VMEM((ZCHUNK, 16), jnp.float32),
        pltpu.VMEM_SHARED((N_NODES, 16), jnp.float32),
        pltpu.SemaphoreType.DMA,
    ],
    compiler_params=_SC_PARAMS,
)
def _sc_deg(dst_hbm, out_hbm, idx_v, ones_v, zbuf, acc_sh, sem):
    _sc_deg_body(dst_hbm, out_hbm, idx_v, ones_v, zbuf, acc_sh, sem)


def _sc_agg_body(y_hbm, src_hbm, dst_hbm, out_hbm,
                 idx_s, idx_d, buf0, buf1, zbuf, acc_sh, sem0, sem1):
    cid = lax.axis_index("c")
    sid = lax.axis_index("s")
    _zero_acc(zbuf, acc_sh, sid, DH)
    plsc.subcore_barrier()

    pltpu.sync_copy(src_hbm.at[sid], idx_s)
    pltpu.sync_copy(dst_hbm.at[sid], idx_d)

    pltpu.async_copy(y_hbm.at[cid].at[idx_s.at[0]], buf0, sem0)

    def body(j, _):
        @pl.when(j % 2 == 0)
        def _():
            @pl.when(j + 1 < NCHUNK_AGG)
            def _():
                pltpu.async_copy(y_hbm.at[cid].at[idx_s.at[j + 1]], buf1, sem1)
            pltpu.make_async_copy(y_hbm.at[cid].at[idx_s.at[0]], buf0, sem0).wait()
            pltpu.sync_copy(buf0, acc_sh.at[idx_d.at[j]], add=True)

        @pl.when(j % 2 == 1)
        def _():
            @pl.when(j + 1 < NCHUNK_AGG)
            def _():
                pltpu.async_copy(y_hbm.at[cid].at[idx_s.at[j + 1]], buf0, sem0)
            pltpu.make_async_copy(y_hbm.at[cid].at[idx_s.at[0]], buf1, sem1).wait()
            pltpu.sync_copy(buf1, acc_sh.at[idx_d.at[j]], add=True)

        return 0

    lax.fori_loop(0, NCHUNK_AGG, body, 0)
    plsc.subcore_barrier()
    _writeback(acc_sh, out_hbm, cid, sid)


@functools.partial(
    pl.kernel,
    out_type=jax.ShapeDtypeStruct((NC, N_NODES, DH), jnp.float32),
    mesh=_MESH,
    scratch_types=[
        pltpu.VMEM((NCHUNK_AGG, CHUNK), jnp.int32),
        pltpu.VMEM((NCHUNK_AGG, CHUNK), jnp.int32),
        pltpu.VMEM((CHUNK, DH), jnp.float32),
        pltpu.VMEM((CHUNK, DH), jnp.float32),
        pltpu.VMEM((ZCHUNK, DH), jnp.float32),
        pltpu.VMEM_SHARED((N_NODES, DH), jnp.float32),
        pltpu.SemaphoreType.DMA,
        pltpu.SemaphoreType.DMA,
    ],
    compiler_params=_SC_PARAMS,
)
def _sc_agg(y_hbm, src_hbm, dst_hbm, out_hbm,
            idx_s, idx_d, buf0, buf1, zbuf, acc_sh, sem0, sem1):
    _sc_agg_body(y_hbm, src_hbm, dst_hbm, out_hbm,
                 idx_s, idx_d, buf0, buf1, zbuf, acc_sh, sem0, sem1)


ROW_BLK = 400
N_BLK = N_NODES // ROW_BLK


def _dinv_from_degs(degs_blk):
    deg = degs_blk[0, :, 0] + degs_blk[1, :, 0] + 1.0
    return lax.rsqrt(deg)


def _split_store(ref, val):
    ref[0] = val[:, :DH]
    ref[1] = val[:, DH:]


def _cat(ref):
    return jnp.concatenate([ref[0], ref[1]], axis=1)


def _tc_first_body(x_ref, w_ref, degs_ref, y_ref):
    xw = jnp.dot(x_ref[...], w_ref[...], preferred_element_type=jnp.float32)
    dinv = _dinv_from_degs(degs_ref[...])
    _split_store(y_ref, xw * dinv[:, None])


def _tc_first(x, W1, degs):
    return pl.pallas_call(
        _tc_first_body,
        grid=(N_BLK,),
        in_specs=[
            pl.BlockSpec((ROW_BLK, D), lambda i: (i, 0)),
            pl.BlockSpec((D, D), lambda i: (0, 0)),
            pl.BlockSpec((NC, ROW_BLK, 16), lambda i: (0, i, 0)),
        ],
        out_specs=pl.BlockSpec((NC, ROW_BLK, DH), lambda i: (0, i, 0)),
        out_shape=jax.ShapeDtypeStruct((NC, N_NODES, DH), jnp.float32),
    )(x, W1, degs)


def _tc_mid_body(acc_ref, y1_ref, degs_ref, b1_ref, w2_ref, y2_ref):
    dinv = _dinv_from_degs(degs_ref[...])
    h = (_cat(acc_ref) + _cat(y1_ref)) * dinv[:, None] + b1_ref[...]
    h = jnp.maximum(h, 0.0)
    hw2 = jnp.dot(h, w2_ref[...], preferred_element_type=jnp.float32)
    _split_store(y2_ref, hw2 * dinv[:, None])


def _tc_mid(acc1, y1, degs, b1, W2):
    return pl.pallas_call(
        _tc_mid_body,
        grid=(N_BLK,),
        in_specs=[
            pl.BlockSpec((NC, ROW_BLK, DH), lambda i: (0, i, 0)),
            pl.BlockSpec((NC, ROW_BLK, DH), lambda i: (0, i, 0)),
            pl.BlockSpec((NC, ROW_BLK, 16), lambda i: (0, i, 0)),
            pl.BlockSpec((1, D), lambda i: (0, 0)),
            pl.BlockSpec((D, D), lambda i: (0, 0)),
        ],
        out_specs=pl.BlockSpec((NC, ROW_BLK, DH), lambda i: (0, i, 0)),
        out_shape=jax.ShapeDtypeStruct((NC, N_NODES, DH), jnp.float32),
    )(acc1, y1, degs, b1, W2)


def _tc_pool_body(acc_ref, y2_ref, degs_ref, b2_ref, batch_ref, out_ref,
                  sums, cnts):
    i = pl.program_id(0)

    @pl.when(i == 0)
    def _():
        sums[...] = jnp.zeros((N_GRAPHS, D), jnp.float32)
        cnts[...] = jnp.zeros((N_GRAPHS, D), jnp.float32)

    dinv = _dinv_from_degs(degs_ref[...])
    node = (_cat(acc_ref) + _cat(y2_ref)) * dinv[:, None] + b2_ref[...]
    bb = batch_ref[0, 0, :]
    gids = lax.broadcasted_iota(jnp.int32, (ROW_BLK, N_GRAPHS), 1)
    oh = (bb[:, None] == gids).astype(jnp.float32)
    dn = (((0,), (0,)), ((), ()))
    sums[...] += lax.dot_general(oh, node, dn, preferred_element_type=jnp.float32)
    cnts[...] += lax.dot_general(oh, jnp.ones((ROW_BLK, D), jnp.float32), dn,
                                 preferred_element_type=jnp.float32)

    @pl.when(i == N_BLK - 1)
    def _():
        out_ref[...] = sums[...] / jnp.maximum(cnts[...], 1.0)


def _tc_pool(acc2, y2, degs, b2, batch_r):
    return pl.pallas_call(
        _tc_pool_body,
        grid=(N_BLK,),
        in_specs=[
            pl.BlockSpec((NC, ROW_BLK, DH), lambda i: (0, i, 0)),
            pl.BlockSpec((NC, ROW_BLK, DH), lambda i: (0, i, 0)),
            pl.BlockSpec((NC, ROW_BLK, 16), lambda i: (0, i, 0)),
            pl.BlockSpec((1, D), lambda i: (0, 0)),
            pl.BlockSpec((1, 1, ROW_BLK), lambda i: (i, 0, 0)),
        ],
        out_specs=pl.BlockSpec((N_GRAPHS, D), lambda i: (0, 0)),
        out_shape=jax.ShapeDtypeStruct((N_GRAPHS, D), jnp.float32),
        scratch_shapes=[
            pltpu.VMEM((N_GRAPHS, D), jnp.float32),
            pltpu.VMEM((N_GRAPHS, D), jnp.float32),
        ],
    )(acc2, y2, degs, b2, batch_r)


@jax.jit
def kernel(x, edge_index, batch, W1, b1, W2, b2):
    src32 = edge_index[0].astype(jnp.int32)
    dst32 = edge_index[1].astype(jnp.int32)
    src_a = src32.reshape(NS, NCHUNK_AGG, CHUNK)
    dst_a = dst32.reshape(NS, NCHUNK_AGG, CHUNK)
    dst_d = dst32.reshape(NC, NS, NCHUNK_DEG, CHUNK)
    batch_r = batch.astype(jnp.int32).reshape(N_BLK, 1, ROW_BLK)
    b1r = b1.reshape(1, D)
    b2r = b2.reshape(1, D)

    degs = _sc_deg(dst_d)
    y1 = _tc_first(x, W1, degs)
    acc1 = _sc_agg(y1, src_a, dst_a)
    y2 = _tc_mid(acc1, y1, degs, b1r, W2)
    acc2 = _sc_agg(y2, src_a, dst_a)
    return _tc_pool(acc2, y2, degs, b2r, batch_r)

# --- scband reference (transcript-rebuilt; emitter-appended) ---
"""Pipeline reference for scband-gcn-34110630265401 (READ-ONLY COPY).

The authoritative reference and input builder live on the scoring server;
editing this copy changes nothing except your own understanding.
"""

import jax, jax.numpy as jnp
import numpy as np

N_NODES = 10000
N_EDGES = 320000
D_IN = 128
D_HID = 128
D_OUT = 128
N_GRAPHS = 64


def setup_inputs(seed: int = 0) -> dict:
    key = jax.random.key(seed)
    k_x, k_e, k_b, k_w1, k_b1, k_w2, k_b2 = [jax.random.fold_in(key, i) for i in range(7)]
    x = jax.random.normal(k_x, (N_NODES, D_IN), dtype=jnp.float32)
    edge_index = jax.random.randint(k_e, (2, N_EDGES), 0, N_NODES, dtype=jnp.int64)
    batch = jnp.sort(jax.random.randint(k_b, (N_NODES,), 0, N_GRAPHS, dtype=jnp.int64))
    s1 = 1.0 / np.sqrt(D_IN)
    s2 = 1.0 / np.sqrt(D_HID)
    W1 = jax.random.uniform(k_w1, (D_IN, D_HID), dtype=jnp.float32, minval=-s1, maxval=s1)
    b1 = jnp.zeros((D_HID,), dtype=jnp.float32)
    W2 = jax.random.uniform(k_w2, (D_HID, D_OUT), dtype=jnp.float32, minval=-s2, maxval=s2)
    b2 = jnp.zeros((D_OUT,), dtype=jnp.float32)
    return {"x": x, "edge_index": edge_index, "batch": batch,
            "W1": W1, "b1": b1, "W2": W2, "b2": b2}


def _gcn_conv(x, W, b, src, dst):
    # PyG GCNConv: add self-loops, symmetric normalization D^-1/2 (A+I) D^-1/2 X W + b
    n = x.shape[0]
    xw = x @ W
    deg = jnp.zeros((n,), dtype=x.dtype).at[dst].add(1.0) + 1.0  # self-loop adds 1
    dinv = jax.lax.rsqrt(deg)
    norm = dinv[src] * dinv[dst]
    msg = norm[:, None] * jnp.take(xw, src, axis=0)
    out = jnp.zeros_like(xw).at[dst].add(msg)
    out = out + (dinv * dinv)[:, None] * xw  # self-loop messages
    return out + b


def reference(x, edge_index, batch, W1, b1, W2, b2):
    src = edge_index[0]
    dst = edge_index[1]
    h = jax.nn.relu(_gcn_conv(x, W1, b1, src, dst))
    # drop_ratio = 0 -> dropout is identity
    node_emb = _gcn_conv(h, W2, b2, src, dst)
    # global mean pool over graphs in the batch
    sums = jax.ops.segment_sum(node_emb, batch, num_segments=N_GRAPHS)
    counts = jax.ops.segment_sum(jnp.ones((node_emb.shape[0],), dtype=node_emb.dtype), batch, num_segments=N_GRAPHS)
    graph_emb = sums / jnp.clip(counts, 1.0)[:, None]
    return graph_emb

if __name__ == "__main__":
    import jax
    _d = setup_inputs()
    print(jax.jit(kernel)(*tuple(_d.values())))

</pallas_src>

<mosaic_0001>
#map = affine_map<(d0, d1) -> (0, 0, 0, 0)>
#map1 = affine_map<(d0, d1) -> (0, 0, 0)>
module attributes {stable_mosaic.version = 14 : i64} {
  func.func @_sc_deg(%arg0: i32, %arg1: i32, %arg2: memref<2x16x80x125xi32, #tpu.memory_space<hbm>>, %arg3: memref<2x10000x16xf32, #tpu.memory_space<hbm>>, %arg4: memref<80x125xi32, #tpu.memory_space<vmem>>, %arg5: memref<125x16xf32, #tpu.memory_space<vmem>>, %arg6: memref<208x16xf32, #tpu.memory_space<vmem>>, %arg7: memref<10000x16xf32, #tpu.memory_space<vmem_shared>>, %arg8: memref<!tpu.dma_semaphore, #tpu.memory_space<semaphore_mem>>) attributes {dimension_semantics = [#tpu.dimension_semantics<core_parallel>, #tpu.dimension_semantics<subcore_parallel>], iteration_bounds = array<i64: 2, 16>, scalar_prefetch = 0 : i64, scratch_operands = 5 : i64, tpu.core_type = #tpu.core_type<sc_vector_subcore>, window_params = [{transform_indices = #map}, {transform_indices = #map1}]} {
    %broadcast_in_dim3A = arith.constant 0.000000e+00 : f32
    %broadcast_in_dim3A_0 = vector.broadcast %broadcast_in_dim3A : f32 to vector<16xf32>
    %scan3A = arith.constant 0 : i32
    %scan3A_1 = arith.constant 0 : i32
    %scan3A_2 = arith.constant 208 : i32
    %scan3A_3 = arith.addi %scan3A_1, %scan3A_2 : i32
    %scan3A_4 = arith.constant 1 : i32
    %scan3A_5 = scf.for %scan3A_43 = %scan3A_1 to %scan3A_3 step %scan3A_4 iter_args(%scan3A_44 = %scan3A) -> (i32)  : i32 {
      %swap3A = arith.index_cast %scan3A_43 : i32 to index
      %swap3A_45 = arith.constant 0 : index
      %swap3A_46 = tpu.vector_load %arg6[%swap3A, %swap3A_45] {strides = array<i32>} : memref<208x16xf32, #tpu.memory_space<vmem>>, vector<1x16xf32>,
      %swap3A_47 = vector.shape_cast %swap3A_46 : vector<1x16xf32> to vector<16xf32>
      %swap3A_48 = vector.shape_cast %broadcast_in_dim3A_0 : vector<16xf32> to vector<1x16xf32>
      tpu.vector_store %arg6[%swap3A, %swap3A_45], %swap3A_48 {strides = array<i32>} : memref<208x16xf32, #tpu.memory_space<vmem>>, vector<1x16xf32>,
      %scan3A_49 = arith.constant 0 : i32
      scf.yield %scan3A_49 : i32
    }
    %scan3A_6 = arith.constant 208 : i32
    %mul3A = arith.constant 624 : i32
    %mul3A_7 = arith.muli %arg1, %mul3A : i32
    %add3A = arith.constant 0 : i32
    %add3A_8 = arith.addi %mul3A_7, %add3A : i32
    "tpu.region"() ({
      %run_scoped3A = tpu.sem_alloc : memref<!tpu.dma_semaphore, #tpu.memory_space<semaphore_mem>>
      %dma_start3A = arith.constant 0 : i32
      %dma_start3A_43 = tpu.memref_slice %arg7[%add3A_8, %dma_start3A] : memref<10000x16xf32, #tpu.memory_space<vmem_shared>> -> memref<208x16xf32, #tpu.memory_space<vmem_shared>>
      %dma_start3A_44 = arith.constant 0 : i32
      %dma_start3A_45 = tpu.memref_slice %arg7[%add3A_8, %dma_start3A_44] : memref<10000x16xf32, #tpu.memory_space<vmem_shared>> -> memref<208x16xf32, #tpu.memory_space<vmem_shared>>
      tpu.enqueue_dma source(%arg6 : memref<208x16xf32, #tpu.memory_space<vmem>>) target(%dma_start3A_45 : memref<208x16xf32, #tpu.memory_space<vmem_shared>>) target_semaphore(%run_scoped3A : memref<!tpu.dma_semaphore, #tpu.memory_space<semaphore_mem>>)
      %dma_wait3A = arith.constant 0 : i32
      %dma_wait3A_46 = tpu.memref_slice %arg7[%add3A_8, %dma_wait3A] : memref<10000x16xf32, #tpu.memory_space<vmem_shared>> -> memref<208x16xf32, #tpu.memory_space<vmem_shared>>
      %dma_wait3A_47 = arith.constant 0 : i32
      %dma_wait3A_48 = tpu.memref_slice %arg7[%add3A_8, %dma_wait3A_47] : memref<10000x16xf32, #tpu.memory_space<vmem_shared>> -> memref<208x16xf32, #tpu.memory_space<vmem_shared>>
      tpu.wait_dma2 semaphore(%run_scoped3A : memref<!tpu.dma_semaphore, #tpu.memory_space<semaphore_mem>>) src(%arg6 : memref<208x16xf32, #tpu.memory_space<vmem>>) dst(%dma_wait3A_48 : memref<208x16xf32, #tpu.memory_space<vmem_shared>>)
      tpu.yield
    }) : () -> ()
    %mul3A_9 = arith.constant 624 : i32
    %mul3A_10 = arith.muli %arg1, %mul3A_9 : i32
    %add3A_11 = arith.constant 208 : i32
    %add3A_12 = arith.addi %mul3A_10, %add3A_11 : i32
    "tpu.region"() ({
      %run_scoped3A = tpu.sem_alloc : memref<!tpu.dma_semaphore, #tpu.memory_space<semaphore_mem>>
      %dma_start3A = arith.constant 0 : i32
      %dma_start3A_43 = tpu.memref_slice %arg7[%add3A_12, %dma_start3A] : memref<10000x16xf32, #tpu.memory_space<vmem_shared>> -> memref<208x16xf32, #tpu.memory_space<vmem_shared>>
      %dma_start3A_44 = arith.constant 0 : i32
      %dma_start3A_45 = tpu.memref_slice %arg7[%add3A_12, %dma_start3A_44] : memref<10000x16xf32, #tpu.memory_space<vmem_shared>> -> memref<208x16xf32, #tpu.memory_space<vmem_shared>>
      tpu.enqueue_dma source(%arg6 : memref<208x16xf32, #tpu.memory_space<vmem>>) target(%dma_start3A_45 : memref<208x16xf32, #tpu.memory_space<vmem_shared>>) target_semaphore(%run_scoped3A : memref<!tpu.dma_semaphore, #tpu.memory_space<semaphore_mem>>)
      %dma_wait3A = arith.constant 0 : i32
      %dma_wait3A_46 = tpu.memref_slice %arg7[%add3A_12, %dma_wait3A] : memref<10000x16xf32, #tpu.memory_space<vmem_shared>> -> memref<208x16xf32, #tpu.memory_space<vmem_shared>>
      %dma_wait3A_47 = arith.constant 0 : i32
      %dma_wait3A_48 = tpu.memref_slice %arg7[%add3A_12, %dma_wait3A_47] : memref<10000x16xf32, #tpu.memory_space<vmem_shared>> -> memref<208x16xf32, #tpu.memory_space<vmem_shared>>
      tpu.wait_dma2 semaphore(%run_scoped3A : memref<!tpu.dma_semaphore, #tpu.memory_space<semaphore_mem>>) src(%arg6 : memref<208x16xf32, #tpu.memory_space<vmem>>) dst(%dma_wait3A_48 : memref<208x16xf32, #tpu.memory_space<vmem_shared>>)
      tpu.yield
    }) : () -> ()
    %mul3A_13 = arith.constant 624 : i32
    %mul3A_14 = arith.muli %arg1, %mul3A_13 : i32
    %add3A_15 = arith.constant 416 : i32
    %add3A_16 = arith.addi %mul3A_14, %add3A_15 : i32
    "tpu.region"() ({
      %run_scoped3A = tpu.sem_alloc : memref<!tpu.dma_semaphore, #tpu.memory_space<semaphore_mem>>
      %dma_start3A = arith.constant 0 : i32
      %dma_start3A_43 = tpu.memref_slice %arg7[%add3A_16, %dma_start3A] : memref<10000x16xf32, #tpu.memory_space<vmem_shared>> -> memref<208x16xf32, #tpu.memory_space<vmem_shared>>
      %dma_start3A_44 = arith.constant 0 : i32
      %dma_start3A_45 = tpu.memref_slice %arg7[%add3A_16, %dma_start3A_44] : memref<10000x16xf32, #tpu.memory_space<vmem_shared>> -> memref<208x16xf32, #tpu.memory_space<vmem_shared>>
      tpu.enqueue_dma source(%arg6 : memref<208x16xf32, #tpu.memory_space<vmem>>) target(%dma_start3A_45 : memref<208x16xf32, #tpu.memory_space<vmem_shared>>) target_semaphore(%run_scoped3A : memref<!tpu.dma_semaphore, #tpu.memory_space<semaphore_mem>>)
      %dma_wait3A = arith.constant 0 : i32
      %dma_wait3A_46 = tpu.memref_slice %arg7[%add3A_16, %dma_wait3A] : memref<10000x16xf32, #tpu.memory_space<vmem_shared>> -> memref<208x16xf32, #tpu.memory_space<vmem_shared>>
      %dma_wait3A_47 = arith.constant 0 : i32
      %dma_wait3A_48 = tpu.memref_slice %arg7[%add3A_16, %dma_wait3A_47] : memref<10000x16xf32, #tpu.memory_space<vmem_shared>> -> memref<208x16xf32, #tpu.memory_space<vmem_shared>>
      tpu.wait_dma2 semaphore(%run_scoped3A : memref<!tpu.dma_semaphore, #tpu.memory_space<semaphore_mem>>) src(%arg6 : memref<208x16xf32, #tpu.memory_space<vmem>>) dst(%dma_wait3A_48 : memref<208x16xf32, #tpu.memory_space<vmem_shared>>)
      tpu.yield
    }) : () -> ()
    %eq3A = arith.constant 0 : i32
    %eq3A_17 = arith.cmpi eq, %arg1, %eq3A : i32
    %convert_element_type3A = arith.extui %eq3A_17 : i1 to i32
    %cond3A = arith.constant 0 : i32
    %cond3A_18 = arith.cmpi ne, %convert_element_type3A, %cond3A : i32
    scf.if %cond3A_18 {
      "tpu.region"() ({
        %run_scoped3A = tpu.sem_alloc : memref<!tpu.dma_semaphore, #tpu.memory_space<semaphore_mem>>
        %dma_start3A = arith.constant 0 : i32
        %dma_start3A_43 = arith.constant 0 : i32
        %dma_start3A_44 = tpu.memref_slice %arg6[%dma_start3A, %dma_start3A_43] : memref<208x16xf32, #tpu.memory_space<vmem>> -> memref<16x16xf32, #tpu.memory_space<vmem>>
        %dma_start3A_45 = arith.constant 9984 : i32
        %dma_start3A_46 = arith.constant 0 : i32
        %dma_start3A_47 = tpu.memref_slice %arg7[%dma_start3A_45, %dma_start3A_46] : memref<10000x16xf32, #tpu.memory_space<vmem_shared>> -> memref<16x16xf32, #tpu.memory_space<vmem_shared>>
        %dma_start3A_48 = arith.constant 9984 : i32
        %dma_start3A_49 = arith.constant 0 : i32
        %dma_start3A_50 = tpu.memref_slice %arg7[%dma_start3A_48, %dma_start3A_49] : memref<10000x16xf32, #tpu.memory_space<vmem_shared>> -> memref<16x16xf32, #tpu.memory_space<vmem_shared>>
        %dma_start3A_51 = arith.constant 0 : i32
        %dma_start3A_52 = arith.constant 0 : i32
        %dma_start3A_53 = tpu.memref_slice %arg6[%dma_start3A_51, %dma_start3A_52] : memref<208x16xf32, #tpu.memory_space<vmem>> -> memref<16x16xf32, #tpu.memory_space<vmem>>
        tpu.enqueue_dma source(%dma_start3A_53 : memref<16x16xf32, #tpu.memory_space<vmem>>) target(%dma_start3A_50 : memref<16x16xf32, #tpu.memory_space<vmem_shared>>) target_semaphore(%run_scoped3A : memref<!tpu.dma_semaphore, #tpu.memory_space<semaphore_mem>>)
        %dma_wait3A = arith.constant 0 : i32
        %dma_wait3A_54 = arith.constant 0 : i32
        %dma_wait3A_55 = tpu.memref_slice %arg6[%dma_wait3A, %dma_wait3A_54] : memref<208x16xf32, #tpu.memory_space<vmem>> -> memref<16x16xf32, #tpu.memory_space<vmem>>
        %dma_wait3A_56 = arith.constant 9984 : i32
        %dma_wait3A_57 = arith.constant 0 : i32
        %dma_wait3A_58 = tpu.memref_slice %arg7[%dma_wait3A_56, %dma_wait3A_57] : memref<10000x16xf32, #tpu.memory_space<vmem_shared>> -> memref<16x16xf32, #tpu.memory_space<vmem_shared>>
        %dma_wait3A_59 = arith.constant 9984 : i32
        %dma_wait3A_60 = arith.constant 0 : i32
        %dma_wait3A_61 = tpu.memref_slice %arg7[%dma_wait3A_59, %dma_wait3A_60] : memref<10000x16xf32, #tpu.memory_space<vmem_shared>> -> memref<16x16xf32, #tpu.memory_space<vmem_shared>>
        %dma_wait3A_62 = arith.constant 0 : i32
        %dma_wait3A_63 = arith.constant 0 : i32
        %dma_wait3A_64 = tpu.memref_slice %arg6[%dma_wait3A_62, %dma_wait3A_63] : memref<208x16xf32, #tpu.memory_space<vmem>> -> memref<16x16xf32, #tpu.memory_space<vmem>>
        tpu.wait_dma2 semaphore(%run_scoped3A : memref<!tpu.dma_semaphore, #tpu.memory_space<semaphore_mem>>) src(%dma_wait3A_64 : memref<16x16xf32, #tpu.memory_space<vmem>>) dst(%dma_wait3A_61 : memref<16x16xf32, #tpu.memory_space<vmem_shared>>)
        tpu.yield
      }) : () -> ()
    } else {
    }
    %barrier3A = arith.constant 0 : index
    tpu.barrier barrier_id(%barrier3A)
    %broadcast_in_dim3A_19 = arith.constant 1.000000e+00 : f32
    %broadcast_in_dim3A_20 = vector.broadcast %broadcast_in_dim3A_19 : f32 to vector<16xf32>
    %scan3A_21 = arith.constant 0 : i32
    %scan3A_22 = arith.constant 0 : i32
    %scan3A_23 = arith.constant 125 : i32
    %scan3A_24 = arith.addi %scan3A_22, %scan3A_23 : i32
    %scan3A_25 = arith.constant 1 : i32
    %scan3A_26 = scf.for %scan3A_43 = %scan3A_22 to %scan3A_24 step %scan3A_25 iter_args(%scan3A_44 = %scan3A_21) -> (i32)  : i32 {
      %swap3A = arith.index_cast %scan3A_43 : i32 to index
      %swap3A_45 = arith.constant 0 : index
      %swap3A_46 = tpu.vector_load %arg5[%swap3A, %swap3A_45] {strides = array<i32>} : memref<125x16xf32, #tpu.memory_space<vmem>>, vector<1x16xf32>,
      %swap3A_47 = vector.shape_cast %swap3A_46 : vector<1x16xf32> to vector<16xf32>
      %swap3A_48 = vector.shape_cast %broadcast_in_dim3A_20 : vector<16xf32> to vector<1x16xf32>
      tpu.vector_store %arg5[%swap3A, %swap3A_45], %swap3A_48 {strides = array<i32>} : memref<125x16xf32, #tpu.memory_space<vmem>>, vector<1x16xf32>,
      %scan3A_49 = arith.constant 0 : i32
      scf.yield %scan3A_49 : i32
    }
    %scan3A_27 = arith.constant 125 : i32
    "tpu.region"() ({
      %run_scoped3A = tpu.sem_alloc : memref<!tpu.dma_semaphore, #tpu.memory_space<semaphore_mem>>
      %dma_start3A = arith.constant 0 : i32
      %dma_start3A_43 = arith.constant 0 : i32
      %dma_start3A_44 = tpu.memref_slice %arg2[%arg0, %arg1, %dma_start3A, %dma_start3A_43] : memref<2x16x80x125xi32, #tpu.memory_space<hbm>> -> memref<1x1x80x125xi32, #tpu.memory_space<hbm>>
      %dma_start3A_45 = tpu.memref_squeeze %dma_start3A_44 : memref<1x1x80x125xi32, #tpu.memory_space<hbm>> -> memref<80x125xi32, #tpu.memory_space<hbm>>
      %dma_start3A_46 = arith.constant 0 : i32
      %dma_start3A_47 = arith.constant 0 : i32
      %dma_start3A_48 = tpu.memref_slice %arg2[%arg0, %arg1, %dma_start3A_46, %dma_start3A_47] : memref<2x16x80x125xi32, #tpu.memory_space<hbm>> -> memref<1x1x80x125xi32, #tpu.memory_space<hbm>>
      %dma_start3A_49 = tpu.memref_squeeze %dma_start3A_48 : memref<1x1x80x125xi32, #tpu.memory_space<hbm>> -> memref<80x125xi32, #tpu.memory_space<hbm>>
      tpu.enqueue_dma source(%dma_start3A_49 : memref<80x125xi32, #tpu.memory_space<hbm>>) target(%arg4 : memref<80x125xi32, #tpu.memory_space<vmem>>) target_semaphore(%run_scoped3A : memref<!tpu.dma_semaphore, #tpu.memory_space<semaphore_mem>>)
      %dma_wait3A = arith.constant 0 : i32
      %dma_wait3A_50 = arith.constant 0 : i32
      %dma_wait3A_51 = tpu.memref_slice %arg2[%arg0, %arg1, %dma_wait3A, %dma_wait3A_50] : memref<2x16x80x125xi32, #tpu.memory_space<hbm>> -> memref<1x1x80x125xi32, #tpu.memory_space<hbm>>
      %dma_wait3A_52 = tpu.memref_squeeze %dma_wait3A_51 : memref<1x1x80x125xi32, #tpu.memory_space<hbm>> -> memref<80x125xi32, #tpu.memory_space<hbm>>
      %dma_wait3A_53 = arith.constant 0 : i32
      %dma_wait3A_54 = arith.constant 0 : i32
      %dma_wait3A_55 = tpu.memref_slice %arg2[%arg0, %arg1, %dma_wait3A_53, %dma_wait3A_54] : memref<2x16x80x125xi32, #tpu.memory_space<hbm>> -> memref<1x1x80x125xi32, #tpu.memory_space<hbm>>
      %dma_wait3A_56 = tpu.memref_squeeze %dma_wait3A_55 : memref<1x1x80x125xi32, #tpu.memory_space<hbm>> -> memref<80x125xi32, #tpu.memory_space<hbm>>
      tpu.wait_dma2 semaphore(%run_scoped3A : memref<!tpu.dma_semaphore, #tpu.memory_space<semaphore_mem>>) src(%dma_wait3A_56 : memref<80x125xi32, #tpu.memory_space<hbm>>) dst(%arg4 : memref<80x125xi32, #tpu.memory_space<vmem>>)
      tpu.yield
    }) : () -> ()
    %scan3A_28 = arith.constant 0 : i32
    %scan3A_29 = arith.constant 0 : i32
    %scan3A_30 = arith.constant 80 : i32
    %scan3A_31 = arith.addi %scan3A_29, %scan3A_30 : i32
    %scan3A_32 = arith.constant 1 : i32
    %scan3A_33 = scf.for %scan3A_43 = %scan3A_29 to %scan3A_31 step %scan3A_32 iter_args(%scan3A_44 = %scan3A_28) -> (i32)  : i32 {
      "tpu.region"() ({
        %run_scoped3A = tpu.sem_alloc : memref<!tpu.dma_semaphore, #tpu.memory_space<semaphore_mem>>
        %dma_start3A = arith.constant 0 : i32
        %dma_start3A_46 = tpu.memref_slice %arg4[%scan3A_43, %dma_start3A] : memref<80x125xi32, #tpu.memory_space<vmem>> -> memref<1x125xi32, #tpu.memory_space<vmem>>
        %dma_start3A_47 = tpu.memref_squeeze %dma_start3A_46 : memref<1x125xi32, #tpu.memory_space<vmem>> -> memref<125xi32, #tpu.memory_space<vmem>>
        %dma_start3A_48 = arith.constant 0 : i32
        %dma_start3A_49 = arith.constant 0 : i32
        %dma_start3A_50 = tpu.memref_slice %arg7[%dma_start3A_48, %dma_start3A_49] : memref<10000x16xf32, #tpu.memory_space<vmem_shared>> -> memref<10000x16xf32, #tpu.memory_space<vmem_shared>>
        tpu.enqueue_indirect_dma source(%arg5 : memref<125x16xf32, #tpu.memory_space<vmem>>) target(%dma_start3A_50 : memref<10000x16xf32, #tpu.memory_space<vmem_shared>>) offsets(%dma_start3A_47 : memref<125xi32, #tpu.memory_space<vmem>>) semaphore(%run_scoped3A : memref<!tpu.dma_semaphore, #tpu.memory_space<semaphore_mem>>) {add = true}
        %dma_wait3A = arith.constant 0 : i32
        %dma_wait3A_51 = tpu.memref_slice %arg4[%scan3A_43, %dma_wait3A] : memref<80x125xi32, #tpu.memory_space<vmem>> -> memref<1x125xi32, #tpu.memory_space<vmem>>
        %dma_wait3A_52 = tpu.memref_squeeze %dma_wait3A_51 : memref<1x125xi32, #tpu.memory_space<vmem>> -> memref<125xi32, #tpu.memory_space<vmem>>
        %dma_wait3A_53 = arith.constant 0 : i32
        %dma_wait3A_54 = arith.constant 0 : i32
        %dma_wait3A_55 = tpu.memref_slice %arg7[%dma_wait3A_53, %dma_wait3A_54] : memref<10000x16xf32, #tpu.memory_space<vmem_shared>> -> memref<10000x16xf32, #tpu.memory_space<vmem_shared>>
        tpu.wait_indirect_dma semaphore(%run_scoped3A : memref<!tpu.dma_semaphore, #tpu.memory_space<semaphore_mem>>) src(%arg5 : memref<125x16xf32, #tpu.memory_space<vmem>>) dst(%dma_wait3A_55 : memref<10000x16xf32, #tpu.memory_space<vmem_shared>>)
        tpu.yield
      }) : () -> ()
      %scan3A_45 = arith.constant 0 : i32
      scf.yield %scan3A_45 : i32
    }
    %scan3A_34 = arith.constant 80 : i32
    %barrier3A_35 = arith.constant 0 : index
    tpu.barrier barrier_id(%barrier3A_35)
    %mul3A_36 = arith.constant 624 : i32
    %mul3A_37 = arith.muli %arg1, %mul3A_36 : i32
    "tpu.region"() ({
      %run_scoped3A = tpu.sem_alloc : memref<!tpu.dma_semaphore, #tpu.memory_space<semaphore_mem>>
      %dma_start3A = arith.constant 0 : i32
      %dma_start3A_43 = tpu.memref_slice %arg3[%arg0, %mul3A_37, %dma_start3A] : memref<2x10000x16xf32, #tpu.memory_space<hbm>> -> memref<1x624x16xf32, #tpu.memory_space<hbm>>
      %dma_start3A_44 = tpu.memref_squeeze %dma_start3A_43 : memref<1x624x16xf32, #tpu.memory_space<hbm>> -> memref<624x16xf32, #tpu.memory_space<hbm>>
      %dma_start3A_45 = arith.constant 0 : i32
      %dma_start3A_46 = tpu.memref_slice %arg7[%mul3A_37, %dma_start3A_45] : memref<10000x16xf32, #tpu.memory_space<vmem_shared>> -> memref<624x16xf32, #tpu.memory_space<vmem_shared>>
      tpu.enqueue_dma source(%dma_start3A_46 : memref<624x16xf32, #tpu.memory_space<vmem_shared>>) target(%dma_start3A_44 : memref<624x16xf32, #tpu.memory_space<hbm>>) target_semaphore(%run_scoped3A : memref<!tpu.dma_semaphore, #tpu.memory_space<semaphore_mem>>)
      %dma_wait3A = arith.constant 0 : i32
      %dma_wait3A_47 = tpu.memref_slice %arg3[%arg0, %mul3A_37, %dma_wait3A] : memref<2x10000x16xf32, #tpu.memory_space<hbm>> -> memref<1x624x16xf32, #tpu.memory_space<hbm>>
      %dma_wait3A_48 = tpu.memref_squeeze %dma_wait3A_47 : memref<1x624x16xf32, #tpu.memory_space<hbm>> -> memref<624x16xf32, #tpu.memory_space<hbm>>
      %dma_wait3A_49 = arith.constant 0 : i32
      %dma_wait3A_50 = tpu.memref_slice %arg7[%mul3A_37, %dma_wait3A_49] : memref<10000x16xf32, #tpu.memory_space<vmem_shared>> -> memref<624x16xf32, #tpu.memory_space<vmem_shared>>
      tpu.wait_dma2 semaphore(%run_scoped3A : memref<!tpu.dma_semaphore, #tpu.memory_space<semaphore_mem>>) src(%dma_wait3A_50 : memref<624x16xf32, #tpu.memory_space<vmem_shared>>) dst(%dma_wait3A_48 : memref<624x16xf32, #tpu.memory_space<hbm>>)
      tpu.yield
    }) : () -> ()
    %eq3A_38 = arith.constant 0 : i32
    %eq3A_39 = arith.cmpi eq, %arg1, %eq3A_38 : i32
    %convert_element_type3A_40 = arith.extui %eq3A_39 : i1 to i32
    %cond3A_41 = arith.constant 0 : i32
    %cond3A_42 = arith.cmpi ne, %convert_element_type3A_40, %cond3A_41 : i32
    scf.if %cond3A_42 {
      "tpu.region"() ({
        %run_scoped3A = tpu.sem_alloc : memref<!tpu.dma_semaphore, #tpu.memory_space<semaphore_mem>>
        %dma_start3A = arith.constant 9984 : i32
        %dma_start3A_43 = arith.constant 0 : i32
        %dma_start3A_44 = tpu.memref_slice %arg3[%arg0, %dma_start3A, %dma_start3A_43] : memref<2x10000x16xf32, #tpu.memory_space<hbm>> -> memref<1x16x16xf32, #tpu.memory_space<hbm>>
        %dma_start3A_45 = tpu.memref_squeeze %dma_start3A_44 : memref<1x16x16xf32, #tpu.memory_space<hbm>> -> memref<16x16xf32, #tpu.memory_space<hbm>>
        %dma_start3A_46 = arith.constant 9984 : i32
        %dma_start3A_47 = arith.constant 0 : i32
        %dma_start3A_48 = tpu.memref_slice %arg7[%dma_start3A_46, %dma_start3A_47] : memref<10000x16xf32, #tpu.memory_space<vmem_shared>> -> memref<16x16xf32, #tpu.memory_space<vmem_shared>>
        tpu.enqueue_dma source(%dma_start3A_48 : memref<16x16xf32, #tpu.memory_space<vmem_shared>>) target(%dma_start3A_45 : memref<16x16xf32, #tpu.memory_space<hbm>>) target_semaphore(%run_scoped3A : memref<!tpu.dma_semaphore, #tpu.memory_space<semaphore_mem>>)
        %dma_wait3A = arith.constant 9984 : i32
        %dma_wait3A_49 = arith.constant 0 : i32
        %dma_wait3A_50 = tpu.memref_slice %arg3[%arg0, %dma_wait3A, %dma_wait3A_49] : memref<2x10000x16xf32, #tpu.memory_space<hbm>> -> memref<1x16x16xf32, #tpu.memory_space<hbm>>
        %dma_wait3A_51 = tpu.memref_squeeze %dma_wait3A_50 : memref<1x16x16xf32, #tpu.memory_space<hbm>> -> memref<16x16xf32, #tpu.memory_space<hbm>>
        %dma_wait3A_52 = arith.constant 9984 : i32
        %dma_wait3A_53 = arith.constant 0 : i32
        %dma_wait3A_54 = tpu.memref_slice %arg7[%dma_wait3A_52, %dma_wait3A_53] : memref<10000x16xf32, #tpu.memory_space<vmem_shared>> -> memref<16x16xf32, #tpu.memory_space<vmem_shared>>
        tpu.wait_dma2 semaphore(%run_scoped3A : memref<!tpu.dma_semaphore, #tpu.memory_space<semaphore_mem>>) src(%dma_wait3A_54 : memref<16x16xf32, #tpu.memory_space<vmem_shared>>) dst(%dma_wait3A_51 : memref<16x16xf32, #tpu.memory_space<hbm>>)
        tpu.yield
      }) : () -> ()
    } else {
    }
    return
  }
}

#map = affine_map<(d0, d1) -> (0, 0, 0)>
module attributes {stable_mosaic.version = 14 : i64} {
  func.func @_sc_agg(%arg0: i32, %arg1: i32, %arg2: memref<2x10000x64xf32, #tpu.memory_space<hbm>>, %arg3: memref<16x160x125xi32, #tpu.memory_space<hbm>>, %arg4: memref<16x160x125xi32, #tpu.memory_space<hbm>>, %arg5: memref<2x10000x64xf32, #tpu.memory_space<hbm>>, %arg6: memref<160x125xi32, #tpu.memory_space<vmem>>, %arg7: memref<160x125xi32, #tpu.memory_space<vmem>>, %arg8: memref<125x64xf32, #tpu.memory_space<vmem>>, %arg9: memref<125x64xf32, #tpu.memory_space<vmem>>, %arg10: memref<208x64xf32, #tpu.memory_space<vmem>>, %arg11: memref<10000x64xf32, #tpu.memory_space<vmem_shared>>, %arg12: memref<!tpu.dma_semaphore, #tpu.memory_space<semaphore_mem>>, %arg13: memref<!tpu.dma_semaphore, #tpu.memory_space<semaphore_mem>>) attributes {dimension_semantics = [#tpu.dimension_semantics<core_parallel>, #tpu.dimension_semantics<subcore_parallel>], iteration_bounds = array<i64: 2, 16>, scalar_prefetch = 0 : i64, scratch_operands = 8 : i64, tpu.core_type = #tpu.core_type<sc_vector_subcore>, window_params = [{transform_indices = #map}, {transform_indices = #map}, {transform_indices = #map}, {transform_indices = #map}]} {
    %broadcast_in_dim3A = arith.constant 0.000000e+00 : f32
    %broadcast_in_dim3A_0 = vector.broadcast %broadcast_in_dim3A : f32 to vector<16xf32>
    %scan3A = arith.constant 0 : i32
    %scan3A_1 = arith.constant 0 : i32
    %scan3A_2 = arith.constant 208 : i32
    %scan3A_3 = arith.addi %scan3A_1, %scan3A_2 : i32
    %scan3A_4 = arith.constant 1 : i32
    %scan3A_5 = scf.for %scan3A_44 = %scan3A_1 to %scan3A_3 step %scan3A_4 iter_args(%scan3A_45 = %scan3A) -> (i32)  : i32 {
      %swap3A = arith.index_cast %scan3A_44 : i32 to index
      %swap3A_46 = arith.constant 0 : index
      %swap3A_47 = tpu.vector_load %arg10[%swap3A, %swap3A_46] {strides = array<i32>} : memref<208x64xf32, #tpu.memory_space<vmem>>, vector<1x16xf32>,
      %swap3A_48 = vector.shape_cast %swap3A_47 : vector<1x16xf32> to vector<16xf32>
      %swap3A_49 = vector.shape_cast %broadcast_in_dim3A_0 : vector<16xf32> to vector<1x16xf32>
      tpu.vector_store %arg10[%swap3A, %swap3A_46], %swap3A_49 {strides = array<i32>} : memref<208x64xf32, #tpu.memory_space<vmem>>, vector<1x16xf32>,
      %swap3A_50 = arith.index_cast %scan3A_44 : i32 to index
      %swap3A_51 = arith.constant 16 : index
      %swap3A_52 = tpu.vector_load %arg10[%swap3A_50, %swap3A_51] {strides = array<i32>} : memref<208x64xf32, #tpu.memory_space<vmem>>, vector<1x16xf32>,
      %swap3A_53 = vector.shape_cast %swap3A_52 : vector<1x16xf32> to vector<16xf32>
      %swap3A_54 = vector.shape_cast %broadcast_in_dim3A_0 : vector<16xf32> to vector<1x16xf32>
      tpu.vector_store %arg10[%swap3A_50, %swap3A_51], %swap3A_54 {strides = array<i32>} : memref<208x64xf32, #tpu.memory_space<vmem>>, vector<1x16xf32>,
      %swap3A_55 = arith.index_cast %scan3A_44 : i32 to index
      %swap3A_56 = arith.constant 32 : index
      %swap3A_57 = tpu.vector_load %arg10[%swap3A_55, %swap3A_56] {strides = array<i32>} : memref<208x64xf32, #tpu.memory_space<vmem>>, vector<1x16xf32>,
      %swap3A_58 = vector.shape_cast %swap3A_57 : vector<1x16xf32> to vector<16xf32>
      %swap3A_59 = vector.shape_cast %broadcast_in_dim3A_0 : vector<16xf32> to vector<1x16xf32>
      tpu.vector_store %arg10[%swap3A_55, %swap3A_56], %swap3A_59 {strides = array<i32>} : memref<208x64xf32, #tpu.memory_space<vmem>>, vector<1x16xf32>,
      %swap3A_60 = arith.index_cast %scan3A_44 : i32 to index
      %swap3A_61 = arith.constant 48 : index
      %swap3A_62 = tpu.vector_load %arg10[%swap3A_60, %swap3A_61] {strides = array<i32>} : memref<208x64xf32, #tpu.memory_space<vmem>>, vector<1x16xf32>,
      %swap3A_63 = vector.shape_cast %swap3A_62 : vector<1x16xf32> to vector<16xf32>
      %swap3A_64 = vector.shape_cast %broadcast_in_dim3A_0 : vector<16xf32> to vector<1x16xf32>
      tpu.vector_store %arg10[%swap3A_60, %swap3A_61], %swap3A_64 {strides = array<i32>} : memref<208x64xf32, #tpu.memory_space<vmem>>, vector<1x16xf32>,
      %scan3A_65 = arith.constant 0 : i32
      scf.yield %scan3A_65 : i32
    }
    %scan3A_6 = arith.constant 208 : i32
    %mul3A = arith.constant 624 : i32
    %mul3A_7 = arith.muli %arg1, %mul3A : i32
    %add3A = arith.constant 0 : i32
    %add3A_8 = arith.addi %mul3A_7, %add3A : i32
    "tpu.region"() ({
      %run_scoped3A = tpu.sem_alloc : memref<!tpu.dma_semaphore, #tpu.memory_space<semaphore_mem>>
      %dma_start3A_44 = arith.constant 0 : i32
      %dma_start3A_45 = tpu.memref_slice %arg11[%add3A_8, %dma_start3A_44] : memref<10000x64xf32, #tpu.memory_space<vmem_shared>> -> memref<208x64xf32, #tpu.memory_space<vmem_shared>>
      %dma_start3A_46 = arith.constant 0 : i32
      %dma_start3A_47 = tpu.memref_slice %arg11[%add3A_8, %dma_start3A_46] : memref<10000x64xf32, #tpu.memory_space<vmem_shared>> -> memref<208x64xf32, #tpu.memory_space<vmem_shared>>
      tpu.enqueue_dma source(%arg10 : memref<208x64xf32, #tpu.memory_space<vmem>>) target(%dma_start3A_47 : memref<208x64xf32, #tpu.memory_space<vmem_shared>>) target_semaphore(%run_scoped3A : memref<!tpu.dma_semaphore, #tpu.memory_space<semaphore_mem>>)
      %dma_wait3A = arith.constant 0 : i32
      %dma_wait3A_48 = tpu.memref_slice %arg11[%add3A_8, %dma_wait3A] : memref<10000x64xf32, #tpu.memory_space<vmem_shared>> -> memref<208x64xf32, #tpu.memory_space<vmem_shared>>
      %dma_wait3A_49 = arith.constant 0 : i32
      %dma_wait3A_50 = tpu.memref_slice %arg11[%add3A_8, %dma_wait3A_49] : memref<10000x64xf32, #tpu.memory_space<vmem_shared>> -> memref<208x64xf32, #tpu.memory_space<vmem_shared>>
      tpu.wait_dma2 semaphore(%run_scoped3A : memref<!tpu.dma_semaphore, #tpu.memory_space<semaphore_mem>>) src(%arg10 : memref<208x64xf32, #tpu.memory_space<vmem>>) dst(%dma_wait3A_50 : memref<208x64xf32, #tpu.memory_space<vmem_shared>>)
      tpu.yield
    }) : () -> ()
    %mul3A_9 = arith.constant 624 : i32
    %mul3A_10 = arith.muli %arg1, %mul3A_9 : i32
    %add3A_11 = arith.constant 208 : i32
    %add3A_12 = arith.addi %mul3A_10, %add3A_11 : i32
    "tpu.region"() ({
      %run_scoped3A = tpu.sem_alloc : memref<!tpu.dma_semaphore, #tpu.memory_space<semaphore_mem>>
      %dma_start3A_44 = arith.constant 0 : i32
      %dma_start3A_45 = tpu.memref_slice %arg11[%add3A_12, %dma_start3A_44] : memref<10000x64xf32, #tpu.memory_space<vmem_shared>> -> memref<208x64xf32, #tpu.memory_space<vmem_shared>>
      %dma_start3A_46 = arith.constant 0 : i32
      %dma_start3A_47 = tpu.memref_slice %arg11[%add3A_12, %dma_start3A_46] : memref<10000x64xf32, #tpu.memory_space<vmem_shared>> -> memref<208x64xf32, #tpu.memory_space<vmem_shared>>
      tpu.enqueue_dma source(%arg10 : memref<208x64xf32, #tpu.memory_space<vmem>>) target(%dma_start3A_47 : memref<208x64xf32, #tpu.memory_space<vmem_shared>>) target_semaphore(%run_scoped3A : memref<!tpu.dma_semaphore, #tpu.memory_space<semaphore_mem>>)
      %dma_wait3A = arith.constant 0 : i32
      %dma_wait3A_48 = tpu.memref_slice %arg11[%add3A_12, %dma_wait3A] : memref<10000x64xf32, #tpu.memory_space<vmem_shared>> -> memref<208x64xf32, #tpu.memory_space<vmem_shared>>
      %dma_wait3A_49 = arith.constant 0 : i32
      %dma_wait3A_50 = tpu.memref_slice %arg11[%add3A_12, %dma_wait3A_49] : memref<10000x64xf32, #tpu.memory_space<vmem_shared>> -> memref<208x64xf32, #tpu.memory_space<vmem_shared>>
      tpu.wait_dma2 semaphore(%run_scoped3A : memref<!tpu.dma_semaphore, #tpu.memory_space<semaphore_mem>>) src(%arg10 : memref<208x64xf32, #tpu.memory_space<vmem>>) dst(%dma_wait3A_50 : memref<208x64xf32, #tpu.memory_space<vmem_shared>>)
      tpu.yield
    }) : () -> ()
    %mul3A_13 = arith.constant 624 : i32
    %mul3A_14 = arith.muli %arg1, %mul3A_13 : i32
    %add3A_15 = arith.constant 416 : i32
    %add3A_16 = arith.addi %mul3A_14, %add3A_15 : i32
    "tpu.region"() ({
      %run_scoped3A = tpu.sem_alloc : memref<!tpu.dma_semaphore, #tpu.memory_space<semaphore_mem>>
      %dma_start3A_44 = arith.constant 0 : i32
      %dma_start3A_45 = tpu.memref_slice %arg11[%add3A_16, %dma_start3A_44] : memref<10000x64xf32, #tpu.memory_space<vmem_shared>> -> memref<208x64xf32, #tpu.memory_space<vmem_shared>>
      %dma_start3A_46 = arith.constant 0 : i32
      %dma_start3A_47 = tpu.memref_slice %arg11[%add3A_16, %dma_start3A_46] : memref<10000x64xf32, #tpu.memory_space<vmem_shared>> -> memref<208x64xf32, #tpu.memory_space<vmem_shared>>
      tpu.enqueue_dma source(%arg10 : memref<208x64xf32, #tpu.memory_space<vmem>>) target(%dma_start3A_47 : memref<208x64xf32, #tpu.memory_space<vmem_shared>>) target_semaphore(%run_scoped3A : memref<!tpu.dma_semaphore, #tpu.memory_space<semaphore_mem>>)
      %dma_wait3A = arith.constant 0 : i32
      %dma_wait3A_48 = tpu.memref_slice %arg11[%add3A_16, %dma_wait3A] : memref<10000x64xf32, #tpu.memory_space<vmem_shared>> -> memref<208x64xf32, #tpu.memory_space<vmem_shared>>
      %dma_wait3A_49 = arith.constant 0 : i32
      %dma_wait3A_50 = tpu.memref_slice %arg11[%add3A_16, %dma_wait3A_49] : memref<10000x64xf32, #tpu.memory_space<vmem_shared>> -> memref<208x64xf32, #tpu.memory_space<vmem_shared>>
      tpu.wait_dma2 semaphore(%run_scoped3A : memref<!tpu.dma_semaphore, #tpu.memory_space<semaphore_mem>>) src(%arg10 : memref<208x64xf32, #tpu.memory_space<vmem>>) dst(%dma_wait3A_50 : memref<208x64xf32, #tpu.memory_space<vmem_shared>>)
      tpu.yield
    }) : () -> ()
    %eq3A = arith.constant 0 : i32
    %eq3A_17 = arith.cmpi eq, %arg1, %eq3A : i32
    %convert_element_type3A = arith.extui %eq3A_17 : i1 to i32
    %cond3A = arith.constant 0 : i32
    %cond3A_18 = arith.cmpi ne, %convert_element_type3A, %cond3A : i32
    scf.if %cond3A_18 {
      "tpu.region"() ({
        %run_scoped3A = tpu.sem_alloc : memref<!tpu.dma_semaphore, #tpu.memory_space<semaphore_mem>>
        %dma_start3A_44 = arith.constant 0 : i32
        %dma_start3A_45 = arith.constant 0 : i32
        %dma_start3A_46 = tpu.memref_slice %arg10[%dma_start3A_44, %dma_start3A_45] : memref<208x64xf32, #tpu.memory_space<vmem>> -> memref<16x64xf32, #tpu.memory_space<vmem>>
        %dma_start3A_47 = arith.constant 9984 : i32
        %dma_start3A_48 = arith.constant 0 : i32
        %dma_start3A_49 = tpu.memref_slice %arg11[%dma_start3A_47, %dma_start3A_48] : memref<10000x64xf32, #tpu.memory_space<vmem_shared>> -> memref<16x64xf32, #tpu.memory_space<vmem_shared>>
        %dma_start3A_50 = arith.constant 9984 : i32
        %dma_start3A_51 = arith.constant 0 : i32
        %dma_start3A_52 = tpu.memref_slice %arg11[%dma_start3A_50, %dma_start3A_51] : memref<10000x64xf32, #tpu.memory_space<vmem_shared>> -> memref<16x64xf32, #tpu.memory_space<vmem_shared>>
        %dma_start3A_53 = arith.constant 0 : i32
        %dma_start3A_54 = arith.constant 0 : i32
        %dma_start3A_55 = tpu.memref_slice %arg10[%dma_start3A_53, %dma_start3A_54] : memref<208x64xf32, #tpu.memory_space<vmem>> -> memref<16x64xf32, #tpu.memory_space<vmem>>
        tpu.enqueue_dma source(%dma_start3A_55 : memref<16x64xf32, #tpu.memory_space<vmem>>) target(%dma_start3A_52 : memref<16x64xf32, #tpu.memory_space<vmem_shared>>) target_semaphore(%run_scoped3A : memref<!tpu.dma_semaphore, #tpu.memory_space<semaphore_mem>>)
        %dma_wait3A = arith.constant 0 : i32
        %dma_wait3A_56 = arith.constant 0 : i32
        %dma_wait3A_57 = tpu.memref_slice %arg10[%dma_wait3A, %dma_wait3A_56] : memref<208x64xf32, #tpu.memory_space<vmem>> -> memref<16x64xf32, #tpu.memory_space<vmem>>
        %dma_wait3A_58 = arith.constant 9984 : i32
        %dma_wait3A_59 = arith.constant 0 : i32
        %dma_wait3A_60 = tpu.memref_slice %arg11[%dma_wait3A_58, %dma_wait3A_59] : memref<10000x64xf32, #tpu.memory_space<vmem_shared>> -> memref<16x64xf32, #tpu.memory_space<vmem_shared>>
        %dma_wait3A_61 = arith.constant 9984 : i32
        %dma_wait3A_62 = arith.constant 0 : i32
        %dma_wait3A_63 = tpu.memref_slice %arg11[%dma_wait3A_61, %dma_wait3A_62] : memref<10000x64xf32, #tpu.memory_space<vmem_shared>> -> memref<16x64xf32, #tpu.memory_space<vmem_shared>>
        %dma_wait3A_64 = arith.constant 0 : i32
        %dma_wait3A_65 = arith.constant 0 : i32
        %dma_wait3A_66 = tpu.memref_slice %arg10[%dma_wait3A_64, %dma_wait3A_65] : memref<208x64xf32, #tpu.memory_space<vmem>> -> memref<16x64xf32, #tpu.memory_space<vmem>>
        tpu.wait_dma2 semaphore(%run_scoped3A : memref<!tpu.dma_semaphore, #tpu.memory_space<semaphore_mem>>) src(%dma_wait3A_66 : memref<16x64xf32, #tpu.memory_space<vmem>>) dst(%dma_wait3A_63 : memref<16x64xf32, #tpu.memory_space<vmem_shared>>)
        tpu.yield
      }) : () -> ()
    } else {
    }
    %barrier3A = arith.constant 0 : index
    tpu.barrier barrier_id(%barrier3A)
    "tpu.region"() ({
      %run_scoped3A = tpu.sem_alloc : memref<!tpu.dma_semaphore, #tpu.memory_space<semaphore_mem>>
      %dma_start3A_44 = arith.constant 0 : i32
      %dma_start3A_45 = arith.constant 0 : i32
      %dma_start3A_46 = tpu.memref_slice %arg3[%arg1, %dma_start3A_44, %dma_start3A_45] : memref<16x160x125xi32, #tpu.memory_space<hbm>> -> memref<1x160x125xi32, #tpu.memory_space<hbm>>
      %dma_start3A_47 = tpu.memref_squeeze %dma_start3A_46 : memref<1x160x125xi32, #tpu.memory_space<hbm>> -> memref<160x125xi32, #tpu.memory_space<hbm>>
      %dma_start3A_48 = arith.constant 0 : i32
      %dma_start3A_49 = arith.constant 0 : i32
      %dma_start3A_50 = tpu.memref_slice %arg3[%arg1, %dma_start3A_48, %dma_start3A_49] : memref<16x160x125xi32, #tpu.memory_space<hbm>> -> memref<1x160x125xi32, #tpu.memory_space<hbm>>
      %dma_start3A_51 = tpu.memref_squeeze %dma_start3A_50 : memref<1x160x125xi32, #tpu.memory_space<hbm>> -> memref<160x125xi32, #tpu.memory_space<hbm>>
      tpu.enqueue_dma source(%dma_start3A_51 : memref<160x125xi32, #tpu.memory_space<hbm>>) target(%arg6 : memref<160x125xi32, #tpu.memory_space<vmem>>) target_semaphore(%run_scoped3A : memref<!tpu.dma_semaphore, #tpu.memory_space<semaphore_mem>>)
      %dma_wait3A = arith.constant 0 : i32
      %dma_wait3A_52 = arith.constant 0 : i32
      %dma_wait3A_53 = tpu.memref_slice %arg3[%arg1, %dma_wait3A, %dma_wait3A_52] : memref<16x160x125xi32, #tpu.memory_space<hbm>> -> memref<1x160x125xi32, #tpu.memory_space<hbm>>
      %dma_wait3A_54 = tpu.memref_squeeze %dma_wait3A_53 : memref<1x160x125xi32, #tpu.memory_space<hbm>> -> memref<160x125xi32, #tpu.memory_space<hbm>>
      %dma_wait3A_55 = arith.constant 0 : i32
      %dma_wait3A_56 = arith.constant 0 : i32
      %dma_wait3A_57 = tpu.memref_slice %arg3[%arg1, %dma_wait3A_55, %dma_wait3A_56] : memref<16x160x125xi32, #tpu.memory_space<hbm>> -> memref<1x160x125xi32, #tpu.memory_space<hbm>>
      %dma_wait3A_58 = tpu.memref_squeeze %dma_wait3A_57 : memref<1x160x125xi32, #tpu.memory_space<hbm>> -> memref<160x125xi32, #tpu.memory_space<hbm>>
      tpu.wait_dma2 semaphore(%run_scoped3A : memref<!tpu.dma_semaphore, #tpu.memory_space<semaphore_mem>>) src(%dma_wait3A_58 : memref<160x125xi32, #tpu.memory_space<hbm>>) dst(%arg6 : memref<160x125xi32, #tpu.memory_space<vmem>>)
      tpu.yield
    }) : () -> ()
    "tpu.region"() ({
      %run_scoped3A = tpu.sem_alloc : memref<!tpu.dma_semaphore, #tpu.memory_space<semaphore_mem>>
      %dma_start3A_44 = arith.constant 0 : i32
      %dma_start3A_45 = arith.constant 0 : i32
      %dma_start3A_46 = tpu.memref_slice %arg4[%arg1, %dma_start3A_44, %dma_start3A_45] : memref<16x160x125xi32, #tpu.memory_space<hbm>> -> memref<1x160x125xi32, #tpu.memory_space<hbm>>
      %dma_start3A_47 = tpu.memref_squeeze %dma_start3A_46 : memref<1x160x125xi32, #tpu.memory_space<hbm>> -> memref<160x125xi32, #tpu.memory_space<hbm>>
      %dma_start3A_48 = arith.constant 0 : i32
      %dma_start3A_49 = arith.constant 0 : i32
      %dma_start3A_50 = tpu.memref_slice %arg4[%arg1, %dma_start3A_48, %dma_start3A_49] : memref<16x160x125xi32, #tpu.memory_space<hbm>> -> memref<1x160x125xi32, #tpu.memory_space<hbm>>
      %dma_start3A_51 = tpu.memref_squeeze %dma_start3A_50 : memref<1x160x125xi32, #tpu.memory_space<hbm>> -> memref<160x125xi32, #tpu.memory_space<hbm>>
      tpu.enqueue_dma source(%dma_start3A_51 : memref<160x125xi32, #tpu.memory_space<hbm>>) target(%arg7 : memref<160x125xi32, #tpu.memory_space<vmem>>) target_semaphore(%run_scoped3A : memref<!tpu.dma_semaphore, #tpu.memory_space<semaphore_mem>>)
      %dma_wait3A = arith.constant 0 : i32
      %dma_wait3A_52 = arith.constant 0 : i32
      %dma_wait3A_53 = tpu.memref_slice %arg4[%arg1, %dma_wait3A, %dma_wait3A_52] : memref<16x160x125xi32, #tpu.memory_space<hbm>> -> memref<1x160x125xi32, #tpu.memory_space<hbm>>
      %dma_wait3A_54 = tpu.memref_squeeze %dma_wait3A_53 : memref<1x160x125xi32, #tpu.memory_space<hbm>> -> memref<160x125xi32, #tpu.memory_space<hbm>>
      %dma_wait3A_55 = arith.constant 0 : i32
      %dma_wait3A_56 = arith.constant 0 : i32
      %dma_wait3A_57 = tpu.memref_slice %arg4[%arg1, %dma_wait3A_55, %dma_wait3A_56] : memref<16x160x125xi32, #tpu.memory_space<hbm>> -> memref<1x160x125xi32, #tpu.memory_space<hbm>>
      %dma_wait3A_58 = tpu.memref_squeeze %dma_wait3A_57 : memref<1x160x125xi32, #tpu.memory_space<hbm>> -> memref<160x125xi32, #tpu.memory_space<hbm>>
      tpu.wait_dma2 semaphore(%run_scoped3A : memref<!tpu.dma_semaphore, #tpu.memory_space<semaphore_mem>>) src(%dma_wait3A_58 : memref<160x125xi32, #tpu.memory_space<hbm>>) dst(%arg7 : memref<160x125xi32, #tpu.memory_space<vmem>>)
      tpu.yield
    }) : () -> ()
    %dma_start3A = arith.constant 0 : i32
    %dma_start3A_19 = arith.constant 0 : i32
    %dma_start3A_20 = tpu.memref_slice %arg6[%dma_start3A, %dma_start3A_19] : memref<160x125xi32, #tpu.memory_space<vmem>> -> memref<1x125xi32, #tpu.memory_space<vmem>>
    %dma_start3A_21 = tpu.memref_squeeze %dma_start3A_20 : memref<1x125xi32, #tpu.memory_space<vmem>> -> memref<125xi32, #tpu.memory_space<vmem>>
    %dma_start3A_22 = arith.constant 0 : i32
    %dma_start3A_23 = arith.constant 0 : i32
    %dma_start3A_24 = tpu.memref_slice %arg2[%arg0, %dma_start3A_22, %dma_start3A_23] : memref<2x10000x64xf32, #tpu.memory_space<hbm>> -> memref<1x10000x64xf32, #tpu.memory_space<hbm>>
    %dma_start3A_25 = tpu.memref_squeeze %dma_start3A_24 : memref<1x10000x64xf32, #tpu.memory_space<hbm>> -> memref<10000x64xf32, #tpu.memory_space<hbm>>
    %dma_start3A_26 = arith.constant 0 : i32
    %dma_start3A_27 = arith.constant 0 : i32
    %dma_start3A_28 = tpu.memref_slice %dma_start3A_25[%dma_start3A_26, %dma_start3A_27] : memref<10000x64xf32, #tpu.memory_space<hbm>> -> memref<10000x64xf32, #tpu.memory_space<hbm>>
    tpu.enqueue_indirect_dma source(%dma_start3A_28 : memref<10000x64xf32, #tpu.memory_space<hbm>>) target(%arg8 : memref<125x64xf32, #tpu.memory_space<vmem>>) offsets(%dma_start3A_21 : memref<125xi32, #tpu.memory_space<vmem>>) semaphore(%arg12 : memref<!tpu.dma_semaphore, #tpu.memory_space<semaphore_mem>>)
    %scan3A_29 = arith.constant 0 : i32
    %scan3A_30 = arith.constant 0 : i32
    %scan3A_31 = arith.constant 160 : i32
    %scan3A_32 = arith.addi %scan3A_30, %scan3A_31 : i32
    %scan3A_33 = arith.constant 1 : i32
    %scan3A_34 = scf.for %scan3A_44 = %scan3A_30 to %scan3A_32 step %scan3A_33 iter_args(%scan3A_45 = %scan3A_29) -> (i32)  : i32 {
      %jit3A = arith.constant 2 : i32
      %eq3A_46 = arith.constant 0 : i32
      %eq3A_47 = arith.cmpi eq, %jit3A, %eq3A_46 : i32
      %jit3A_48 = arith.constant 1 : i32
      %select_n3A = arith.select %eq3A_47, %jit3A_48, %jit3A : i32
      %rem3A = arith.remsi %scan3A_44, %select_n3A : i32
      %ne3A = arith.constant 0 : i32
      %ne3A_49 = arith.cmpi ne, %rem3A, %ne3A : i32
      %lt3A = arith.constant 0 : i32
      %lt3A_50 = arith.cmpi slt, %rem3A, %lt3A : i32
      %lt3A_51 = arith.constant 0 : i32
      %lt3A_52 = arith.cmpi slt, %select_n3A, %lt3A_51 : i32
      %ne3A_53 = arith.xori %lt3A_50, %lt3A_52 : i1
      %and3A = arith.andi %ne3A_53, %ne3A_49 : i1
      %add3A_54 = arith.addi %rem3A, %select_n3A : i32
      %select_n3A_55 = arith.select %and3A, %add3A_54, %rem3A : i32
      %eq3A_56 = arith.constant 0 : i32
      %eq3A_57 = arith.cmpi eq, %select_n3A_55, %eq3A_56 : i32
      %convert_element_type3A_58 = arith.extui %eq3A_57 : i1 to i32
      %cond3A_59 = arith.constant 0 : i32
      %cond3A_60 = arith.cmpi ne, %convert_element_type3A_58, %cond3A_59 : i32
      scf.if %cond3A_60 {
        %add3A_83 = arith.constant 1 : i32
        %add3A_84 = arith.addi %scan3A_44, %add3A_83 : i32
        %lt3A_85 = arith.constant 160 : i32
        %lt3A_86 = arith.cmpi slt, %add3A_84, %lt3A_85 : i32
        %convert_element_type3A_87 = arith.extui %lt3A_86 : i1 to i32
        %cond3A_88 = arith.constant 0 : i32
        %cond3A_89 = arith.cmpi ne, %convert_element_type3A_87, %cond3A_88 : i32
        scf.if %cond3A_89 {
          %add3A_100 = arith.constant 1 : i32
          %add3A_101 = arith.addi %scan3A_44, %add3A_100 : i32
          %dma_start3A_102 = arith.constant 0 : i32
          %dma_start3A_103 = tpu.memref_slice %arg6[%add3A_101, %dma_start3A_102] : memref<160x125xi32, #tpu.memory_space<vmem>> -> memref<1x125xi32, #tpu.memory_space<vmem>>
          %dma_start3A_104 = tpu.memref_squeeze %dma_start3A_103 : memref<1x125xi32, #tpu.memory_space<vmem>> -> memref<125xi32, #tpu.memory_space<vmem>>
          %dma_start3A_105 = arith.constant 0 : i32
          %dma_start3A_106 = arith.constant 0 : i32
          %dma_start3A_107 = tpu.memref_slice %arg2[%arg0, %dma_start3A_105, %dma_start3A_106] : memref<2x10000x64xf32, #tpu.memory_space<hbm>> -> memref<1x10000x64xf32, #tpu.memory_space<hbm>>
          %dma_start3A_108 = tpu.memref_squeeze %dma_start3A_107 : memref<1x10000x64xf32, #tpu.memory_space<hbm>> -> memref<10000x64xf32, #tpu.memory_space<hbm>>
          %dma_start3A_109 = arith.constant 0 : i32
          %dma_start3A_110 = arith.constant 0 : i32
          %dma_start3A_111 = tpu.memref_slice %dma_start3A_108[%dma_start3A_109, %dma_start3A_110] : memref<10000x64xf32, #tpu.memory_space<hbm>> -> memref<10000x64xf32, #tpu.memory_space<hbm>>
          tpu.enqueue_indirect_dma source(%dma_start3A_111 : memref<10000x64xf32, #tpu.memory_space<hbm>>) target(%arg9 : memref<125x64xf32, #tpu.memory_space<vmem>>) offsets(%dma_start3A_104 : memref<125xi32, #tpu.memory_space<vmem>>) semaphore(%arg13 : memref<!tpu.dma_semaphore, #tpu.memory_space<semaphore_mem>>)
        } else {
        }
        %dma_wait3A = arith.constant 0 : i32
        %dma_wait3A_90 = arith.constant 0 : i32
        %dma_wait3A_91 = tpu.memref_slice %arg6[%dma_wait3A, %dma_wait3A_90] : memref<160x125xi32, #tpu.memory_space<vmem>> -> memref<1x125xi32, #tpu.memory_space<vmem>>
        %dma_wait3A_92 = tpu.memref_squeeze %dma_wait3A_91 : memref<1x125xi32, #tpu.memory_space<vmem>> -> memref<125xi32, #tpu.memory_space<vmem>>
        %dma_wait3A_93 = arith.constant 0 : i32
        %dma_wait3A_94 = arith.constant 0 : i32
        %dma_wait3A_95 = tpu.memref_slice %arg2[%arg0, %dma_wait3A_93, %dma_wait3A_94] : memref<2x10000x64xf32, #tpu.memory_space<hbm>> -> memref<1x10000x64xf32, #tpu.memory_space<hbm>>
        %dma_wait3A_96 = tpu.memref_squeeze %dma_wait3A_95 : memref<1x10000x64xf32, #tpu.memory_space<hbm>> -> memref<10000x64xf32, #tpu.memory_space<hbm>>
        %dma_wait3A_97 = arith.constant 0 : i32
        %dma_wait3A_98 = arith.constant 0 : i32
        %dma_wait3A_99 = tpu.memref_slice %dma_wait3A_96[%dma_wait3A_97, %dma_wait3A_98] : memref<10000x64xf32, #tpu.memory_space<hbm>> -> memref<10000x64xf32, #tpu.memory_space<hbm>>
        tpu.wait_indirect_dma semaphore(%arg12 : memref<!tpu.dma_semaphore, #tpu.memory_space<semaphore_mem>>) src(%dma_wait3A_99 : memref<10000x64xf32, #tpu.memory_space<hbm>>) dst(%arg8 : memref<125x64xf32, #tpu.memory_space<vmem>>)
        "tpu.region"() ({
          %run_scoped3A = tpu.sem_alloc : memref<!tpu.dma_semaphore, #tpu.memory_space<semaphore_mem>>
          %dma_start3A_100 = arith.constant 0 : i32
          %dma_start3A_101 = tpu.memref_slice %arg7[%scan3A_44, %dma_start3A_100] : memref<160x125xi32, #tpu.memory_space<vmem>> -> memref<1x125xi32, #tpu.memory_space<vmem>>
          %dma_start3A_102 = tpu.memref_squeeze %dma_start3A_101 : memref<1x125xi32, #tpu.memory_space<vmem>> -> memref<125xi32, #tpu.memory_space<vmem>>
          %dma_start3A_103 = arith.constant 0 : i32
          %dma_start3A_104 = arith.constant 0 : i32
          %dma_start3A_105 = tpu.memref_slice %arg11[%dma_start3A_103, %dma_start3A_104] : memref<10000x64xf32, #tpu.memory_space<vmem_shared>> -> memref<10000x64xf32, #tpu.memory_space<vmem_shared>>
          tpu.enqueue_indirect_dma source(%arg8 : memref<125x64xf32, #tpu.memory_space<vmem>>) target(%dma_start3A_105 : memref<10000x64xf32, #tpu.memory_space<vmem_shared>>) offsets(%dma_start3A_102 : memref<125xi32, #tpu.memory_space<vmem>>) semaphore(%run_scoped3A : memref<!tpu.dma_semaphore, #tpu.memory_space<semaphore_mem>>) {add = true}
          %dma_wait3A_106 = arith.constant 0 : i32
          %dma_wait3A_107 = tpu.memref_slice %arg7[%scan3A_44, %dma_wait3A_106] : memref<160x125xi32, #tpu.memory_space<vmem>> -> memref<1x125xi32, #tpu.memory_space<vmem>>
          %dma_wait3A_108 = tpu.memref_squeeze %dma_wait3A_107 : memref<1x125xi32, #tpu.memory_space<vmem>> -> memref<125xi32, #tpu.memory_space<vmem>>
          %dma_wait3A_109 = arith.constant 0 : i32
          %dma_wait3A_110 = arith.constant 0 : i32
          %dma_wait3A_111 = tpu.memref_slice %arg11[%dma_wait3A_109, %dma_wait3A_110] : memref<10000x64xf32, #tpu.memory_space<vmem_shared>> -> memref<10000x64xf32, #tpu.memory_space<vmem_shared>>
          tpu.wait_indirect_dma semaphore(%run_scoped3A : memref<!tpu.dma_semaphore, #tpu.memory_space<semaphore_mem>>) src(%arg8 : memref<125x64xf32, #tpu.memory_space<vmem>>) dst(%dma_wait3A_111 : memref<10000x64xf32, #tpu.memory_space<vmem_shared>>)
          tpu.yield
        }) : () -> ()
      } else {
      }
      %jit3A_61 = arith.constant 2 : i32
      %eq3A_62 = arith.constant 0 : i32
      %eq3A_63 = arith.cmpi eq, %jit3A_61, %eq3A_62 : i32
      %jit3A_64 = arith.constant 1 : i32
      %select_n3A_65 = arith.select %eq3A_63, %jit3A_64, %jit3A_61 : i32
      %rem3A_66 = arith.remsi %scan3A_44, %select_n3A_65 : i32
      %ne3A_67 = arith.constant 0 : i32
      %ne3A_68 = arith.cmpi ne, %rem3A_66, %ne3A_67 : i32
      %lt3A_69 = arith.constant 0 : i32
      %lt3A_70 = arith.cmpi slt, %rem3A_66, %lt3A_69 : i32
      %lt3A_71 = arith.constant 0 : i32
      %lt3A_72 = arith.cmpi slt, %select_n3A_65, %lt3A_71 : i32
      %ne3A_73 = arith.xori %lt3A_70, %lt3A_72 : i1
      %and3A_74 = arith.andi %ne3A_73, %ne3A_68 : i1
      %add3A_75 = arith.addi %rem3A_66, %select_n3A_65 : i32
      %select_n3A_76 = arith.select %and3A_74, %add3A_75, %rem3A_66 : i32
      %eq3A_77 = arith.constant 1 : i32
      %eq3A_78 = arith.cmpi eq, %select_n3A_76, %eq3A_77 : i32
      %convert_element_type3A_79 = arith.extui %eq3A_78 : i1 to i32
      %cond3A_80 = arith.constant 0 : i32
      %cond3A_81 = arith.cmpi ne, %convert_element_type3A_79, %cond3A_80 : i32
      scf.if %cond3A_81 {
        %add3A_83 = arith.constant 1 : i32
        %add3A_84 = arith.addi %scan3A_44, %add3A_83 : i32
        %lt3A_85 = arith.constant 160 : i32
        %lt3A_86 = arith.cmpi slt, %add3A_84, %lt3A_85 : i32
        %convert_element_type3A_87 = arith.extui %lt3A_86 : i1 to i32
        %cond3A_88 = arith.constant 0 : i32
        %cond3A_89 = arith.cmpi ne, %convert_element_type3A_87, %cond3A_88 : i32
        scf.if %cond3A_89 {
          %add3A_100 = arith.constant 1 : i32
          %add3A_101 = arith.addi %scan3A_44, %add3A_100 : i32
          %dma_start3A_102 = arith.constant 0 : i32
          %dma_start3A_103 = tpu.memref_slice %arg6[%add3A_101, %dma_start3A_102] : memref<160x125xi32, #tpu.memory_space<vmem>> -> memref<1x125xi32, #tpu.memory_space<vmem>>
          %dma_start3A_104 = tpu.memref_squeeze %dma_start3A_103 : memref<1x125xi32, #tpu.memory_space<vmem>> -> memref<125xi32, #tpu.memory_space<vmem>>
          %dma_start3A_105 = arith.constant 0 : i32
          %dma_start3A_106 = arith.constant 0 : i32
          %dma_start3A_107 = tpu.memref_slice %arg2[%arg0, %dma_start3A_105, %dma_start3A_106] : memref<2x10000x64xf32, #tpu.memory_space<hbm>> -> memref<1x10000x64xf32, #tpu.memory_space<hbm>>
          %dma_start3A_108 = tpu.memref_squeeze %dma_start3A_107 : memref<1x10000x64xf32, #tpu.memory_space<hbm>> -> memref<10000x64xf32, #tpu.memory_space<hbm>>
          %dma_start3A_109 = arith.constant 0 : i32
          %dma_start3A_110 = arith.constant 0 : i32
          %dma_start3A_111 = tpu.memref_slice %dma_start3A_108[%dma_start3A_109, %dma_start3A_110] : memref<10000x64xf32, #tpu.memory_space<hbm>> -> memref<10000x64xf32, #tpu.memory_space<hbm>>
          tpu.enqueue_indirect_dma source(%dma_start3A_111 : memref<10000x64xf32, #tpu.memory_space<hbm>>) target(%arg8 : memref<125x64xf32, #tpu.memory_space<vmem>>) offsets(%dma_start3A_104 : memref<125xi32, #tpu.memory_space<vmem>>) semaphore(%arg12 : memref<!tpu.dma_semaphore, #tpu.memory_space<semaphore_mem>>)
        } else {
        }
        %dma_wait3A = arith.constant 0 : i32
        %dma_wait3A_90 = arith.constant 0 : i32
        %dma_wait3A_91 = tpu.memref_slice %arg6[%dma_wait3A, %dma_wait3A_90] : memref<160x125xi32, #tpu.memory_space<vmem>> -> memref<1x125xi32, #tpu.memory_space<vmem>>
        %dma_wait3A_92 = tpu.memref_squeeze %dma_wait3A_91 : memref<1x125xi32, #tpu.memory_space<vmem>> -> memref<125xi32, #tpu.memory_space<vmem>>
        %dma_wait3A_93 = arith.constant 0 : i32
        %dma_wait3A_94 = arith.constant 0 : i32
        %dma_wait3A_95 = tpu.memref_slice %arg2[%arg0, %dma_wait3A_93, %dma_wait3A_94] : memref<2x10000x64xf32, #tpu.memory_space<hbm>> -> memref<1x10000x64xf32, #tpu.memory_space<hbm>>
        %dma_wait3A_96 = tpu.memref_squeeze %dma_wait3A_95 : memref<1x10000x64xf32, #tpu.memory_space<hbm>> -> memref<10000x64xf32, #tpu.memory_space<hbm>>
        %dma_wait3A_97 = arith.constant 0 : i32
        %dma_wait3A_98 = arith.constant 0 : i32
        %dma_wait3A_99 = tpu.memref_slice %dma_wait3A_96[%dma_wait3A_97, %dma_wait3A_98] : memref<10000x64xf32, #tpu.memory_space<hbm>> -> memref<10000x64xf32, #tpu.memory_space<hbm>>
        tpu.wait_indirect_dma semaphore(%arg13 : memref<!tpu.dma_semaphore, #tpu.memory_space<semaphore_mem>>) src(%dma_wait3A_99 : memref<10000x64xf32, #tpu.memory_space<hbm>>) dst(%arg9 : memref<125x64xf32, #tpu.memory_space<vmem>>)
        "tpu.region"() ({
          %run_scoped3A = tpu.sem_alloc : memref<!tpu.dma_semaphore, #tpu.memory_space<semaphore_mem>>
          %dma_start3A_100 = arith.constant 0 : i32
          %dma_start3A_101 = tpu.memref_slice %arg7[%scan3A_44, %dma_start3A_100] : memref<160x125xi32, #tpu.memory_space<vmem>> -> memref<1x125xi32, #tpu.memory_space<vmem>>
          %dma_start3A_102 = tpu.memref_squeeze %dma_start3A_101 : memref<1x125xi32, #tpu.memory_space<vmem>> -> memref<125xi32, #tpu.memory_space<vmem>>
          %dma_start3A_103 = arith.constant 0 : i32
          %dma_start3A_104 = arith.constant 0 : i32
          %dma_start3A_105 = tpu.memref_slice %arg11[%dma_start3A_103, %dma_start3A_104] : memref<10000x64xf32, #tpu.memory_space<vmem_shared>> -> memref<10000x64xf32, #tpu.memory_space<vmem_shared>>
          tpu.enqueue_indirect_dma source(%arg9 : memref<125x64xf32, #tpu.memory_space<vmem>>) target(%dma_start3A_105 : memref<10000x64xf32, #tpu.memory_space<vmem_shared>>) offsets(%dma_start3A_102 : memref<125xi32, #tpu.memory_space<vmem>>) semaphore(%run_scoped3A : memref<!tpu.dma_semaphore, #tpu.memory_space<semaphore_mem>>) {add = true}
          %dma_wait3A_106 = arith.constant 0 : i32
          %dma_wait3A_107 = tpu.memref_slice %arg7[%scan3A_44, %dma_wait3A_106] : memref<160x125xi32, #tpu.memory_space<vmem>> -> memref<1x125xi32, #tpu.memory_space<vmem>>
          %dma_wait3A_108 = tpu.memref_squeeze %dma_wait3A_107 : memref<1x125xi32, #tpu.memory_space<vmem>> -> memref<125xi32, #tpu.memory_space<vmem>>
          %dma_wait3A_109 = arith.constant 0 : i32
          %dma_wait3A_110 = arith.constant 0 : i32
          %dma_wait3A_111 = tpu.memref_slice %arg11[%dma_wait3A_109, %dma_wait3A_110] : memref<10000x64xf32, #tpu.memory_space<vmem_shared>> -> memref<10000x64xf32, #tpu.memory_space<vmem_shared>>
          tpu.wait_indirect_dma semaphore(%run_scoped3A : memref<!tpu.dma_semaphore, #tpu.memory_space<semaphore_mem>>) src(%arg9 : memref<125x64xf32, #tpu.memory_space<vmem>>) dst(%dma_wait3A_111 : memref<10000x64xf32, #tpu.memory_space<vmem_shared>>)
          tpu.yield
        }) : () -> ()
      } else {
      }
      %scan3A_82 = arith.constant 0 : i32
      scf.yield %scan3A_82 : i32
    }
    %scan3A_35 = arith.constant 160 : i32
    %barrier3A_36 = arith.constant 0 : index
    tpu.barrier barrier_id(%barrier3A_36)
    %mul3A_37 = arith.constant 624 : i32
    %mul3A_38 = arith.muli %arg1, %mul3A_37 : i32
    "tpu.region"() ({
      %run_scoped3A = tpu.sem_alloc : memref<!tpu.dma_semaphore, #tpu.memory_space<semaphore_mem>>
      %dma_start3A_44 = arith.constant 0 : i32
      %dma_start3A_45 = tpu.memref_slice %arg5[%arg0, %mul3A_38, %dma_start3A_44] : memref<2x10000x64xf32, #tpu.memory_space<hbm>> -> memref<1x624x64xf32, #tpu.memory_space<hbm>>
      %dma_start3A_46 = tpu.memref_squeeze %dma_start3A_45 : memref<1x624x64xf32, #tpu.memory_space<hbm>> -> memref<624x64xf32, #tpu.memory_space<hbm>>
      %dma_start3A_47 = arith.constant 0 : i32
      %dma_start3A_48 = tpu.memref_slice %arg11[%mul3A_38, %dma_start3A_47] : memref<10000x64xf32, #tpu.memory_space<vmem_shared>> -> memref<624x64xf32, #tpu.memory_space<vmem_shared>>
      tpu.enqueue_dma source(%dma_start3A_48 : memref<624x64xf32, #tpu.memory_space<vmem_shared>>) target(%dma_start3A_46 : memref<624x64xf32, #tpu.memory_space<hbm>>) target_semaphore(%run_scoped3A : memref<!tpu.dma_semaphore, #tpu.memory_space<semaphore_mem>>)
      %dma_wait3A = arith.constant 0 : i32
      %dma_wait3A_49 = tpu.memref_slice %arg5[%arg0, %mul3A_38, %dma_wait3A] : memref<2x10000x64xf32, #tpu.memory_space<hbm>> -> memref<1x624x64xf32, #tpu.memory_space<hbm>>
      %dma_wait3A_50 = tpu.memref_squeeze %dma_wait3A_49 : memref<1x624x64xf32, #tpu.memory_space<hbm>> -> memref<624x64xf32, #tpu.memory_space<hbm>>
      %dma_wait3A_51 = arith.constant 0 : i32
      %dma_wait3A_52 = tpu.memref_slice %arg11[%mul3A_38, %dma_wait3A_51] : memref<10000x64xf32, #tpu.memory_space<vmem_shared>> -> memref<624x64xf32, #tpu.memory_space<vmem_shared>>
      tpu.wait_dma2 semaphore(%run_scoped3A : memref<!tpu.dma_semaphore, #tpu.memory_space<semaphore_mem>>) src(%dma_wait3A_52 : memref<624x64xf32, #tpu.memory_space<vmem_shared>>) dst(%dma_wait3A_50 : memref<624x64xf32, #tpu.memory_space<hbm>>)
      tpu.yield
    }) : () -> ()
    %eq3A_39 = arith.constant 0 : i32
    %eq3A_40 = arith.cmpi eq, %arg1, %eq3A_39 : i32
    %convert_element_type3A_41 = arith.extui %eq3A_40 : i1 to i32
    %cond3A_42 = arith.constant 0 : i32
    %cond3A_43 = arith.cmpi ne, %convert_element_type3A_41, %cond3A_42 : i32
    scf.if %cond3A_43 {
      "tpu.region"() ({
        %run_scoped3A = tpu.sem_alloc : memref<!tpu.dma_semaphore, #tpu.memory_space<semaphore_mem>>
        %dma_start3A_44 = arith.constant 9984 : i32
        %dma_start3A_45 = arith.constant 0 : i32
        %dma_start3A_46 = tpu.memref_slice %arg5[%arg0, %dma_start3A_44, %dma_start3A_45] : memref<2x10000x64xf32, #tpu.memory_space<hbm>> -> memref<1x16x64xf32, #tpu.memory_space<hbm>>
        %dma_start3A_47 = tpu.memref_squeeze %dma_start3A_46 : memref<1x16x64xf32, #tpu.memory_space<hbm>> -> memref<16x64xf32, #tpu.memory_space<hbm>>
        %dma_start3A_48 = arith.constant 9984 : i32
        %dma_start3A_49 = arith.constant 0 : i32
        %dma_start3A_50 = tpu.memref_slice %arg11[%dma_start3A_48, %dma_start3A_49] : memref<10000x64xf32, #tpu.memory_space<vmem_shared>> -> memref<16x64xf32, #tpu.memory_space<vmem_shared>>
        tpu.enqueue_dma source(%dma_start3A_50 : memref<16x64xf32, #tpu.memory_space<vmem_shared>>) target(%dma_start3A_47 : memref<16x64xf32, #tpu.memory_space<hbm>>) target_semaphore(%run_scoped3A : memref<!tpu.dma_semaphore, #tpu.memory_space<semaphore_mem>>)
        %dma_wait3A = arith.constant 9984 : i32
        %dma_wait3A_51 = arith.constant 0 : i32
        %dma_wait3A_52 = tpu.memref_slice %arg5[%arg0, %dma_wait3A, %dma_wait3A_51] : memref<2x10000x64xf32, #tpu.memory_space<hbm>> -> memref<1x16x64xf32, #tpu.memory_space<hbm>>
        %dma_wait3A_53 = tpu.memref_squeeze %dma_wait3A_52 : memref<1x16x64xf32, #tpu.memory_space<hbm>> -> memref<16x64xf32, #tpu.memory_space<hbm>>
        %dma_wait3A_54 = arith.constant 9984 : i32
        %dma_wait3A_55 = arith.constant 0 : i32
        %dma_wait3A_56 = tpu.memref_slice %arg11[%dma_wait3A_54, %dma_wait3A_55] : memref<10000x64xf32, #tpu.memory_space<vmem_shared>> -> memref<16x64xf32, #tpu.memory_space<vmem_shared>>
        tpu.wait_dma2 semaphore(%run_scoped3A : memref<!tpu.dma_semaphore, #tpu.memory_space<semaphore_mem>>) src(%dma_wait3A_56 : memref<16x64xf32, #tpu.memory_space<vmem_shared>>) dst(%dma_wait3A_53 : memref<16x64xf32, #tpu.memory_space<hbm>>)
        tpu.yield
      }) : () -> ()
    } else {
    }
    return
  }
}

#map = affine_map<(d0, d1) -> (0, 0, 0)>
module attributes {stable_mosaic.version = 14 : i64} {
  func.func @_sc_agg(%arg0: i32, %arg1: i32, %arg2: memref<2x10000x64xf32, #tpu.memory_space<hbm>>, %arg3: memref<16x160x125xi32, #tpu.memory_space<hbm>>, %arg4: memref<16x160x125xi32, #tpu.memory_space<hbm>>, %arg5: memref<2x10000x64xf32, #tpu.memory_space<hbm>>, %arg6: memref<160x125xi32, #tpu.memory_space<vmem>>, %arg7: memref<160x125xi32, #tpu.memory_space<vmem>>, %arg8: memref<125x64xf32, #tpu.memory_space<vmem>>, %arg9: memref<125x64xf32, #tpu.memory_space<vmem>>, %arg10: memref<208x64xf32, #tpu.memory_space<vmem>>, %arg11: memref<10000x64xf32, #tpu.memory_space<vmem_shared>>, %arg12: memref<!tpu.dma_semaphore, #tpu.memory_space<semaphore_mem>>, %arg13: memref<!tpu.dma_semaphore, #tpu.memory_space<semaphore_mem>>) attributes {dimension_semantics = [#tpu.dimension_semantics<core_parallel>, #tpu.dimension_semantics<subcore_parallel>], iteration_bounds = array<i64: 2, 16>, scalar_prefetch = 0 : i64, scratch_operands = 8 : i64, tpu.core_type = #tpu.core_type<sc_vector_subcore>, window_params = [{transform_indices = #map}, {transform_indices = #map}, {transform_indices = #map}, {transform_indices = #map}]} {
    %broadcast_in_dim3A = arith.constant 0.000000e+00 : f32
    %broadcast_in_dim3A_0 = vector.broadcast %broadcast_in_dim3A : f32 to vector<16xf32>
    %scan3A = arith.constant 0 : i32
    %scan3A_1 = arith.constant 0 : i32
    %scan3A_2 = arith.constant 208 : i32
    %scan3A_3 = arith.addi %scan3A_1, %scan3A_2 : i32
    %scan3A_4 = arith.constant 1 : i32
    %scan3A_5 = scf.for %scan3A_44 = %scan3A_1 to %scan3A_3 step %scan3A_4 iter_args(%scan3A_45 = %scan3A) -> (i32)  : i32 {
      %swap3A = arith.index_cast %scan3A_44 : i32 to index
      %swap3A_46 = arith.constant 0 : index
      %swap3A_47 = tpu.vector_load %arg10[%swap3A, %swap3A_46] {strides = array<i32>} : memref<208x64xf32, #tpu.memory_space<vmem>>, vector<1x16xf32>,
      %swap3A_48 = vector.shape_cast %swap3A_47 : vector<1x16xf32> to vector<16xf32>
      %swap3A_49 = vector.shape_cast %broadcast_in_dim3A_0 : vector<16xf32> to vector<1x16xf32>
      tpu.vector_store %arg10[%swap3A, %swap3A_46], %swap3A_49 {strides = array<i32>} : memref<208x64xf32, #tpu.memory_space<vmem>>, vector<1x16xf32>,
      %swap3A_50 = arith.index_cast %scan3A_44 : i32 to index
      %swap3A_51 = arith.constant 16 : index
      %swap3A_52 = tpu.vector_load %arg10[%swap3A_50, %swap3A_51] {strides = array<i32>} : memref<208x64xf32, #tpu.memory_space<vmem>>, vector<1x16xf32>,
      %swap3A_53 = vector.shape_cast %swap3A_52 : vector<1x16xf32> to vector<16xf32>
      %swap3A_54 = vector.shape_cast %broadcast_in_dim3A_0 : vector<16xf32> to vector<1x16xf32>
      tpu.vector_store %arg10[%swap3A_50, %swap3A_51], %swap3A_54 {strides = array<i32>} : memref<208x64xf32, #tpu.memory_space<vmem>>, vector<1x16xf32>,
      %swap3A_55 = arith.index_cast %scan3A_44 : i32 to index
      %swap3A_56 = arith.constant 32 : index
      %swap3A_57 = tpu.vector_load %arg10[%swap3A_55, %swap3A_56] {strides = array<i32>} : memref<208x64xf32, #tpu.memory_space<vmem>>, vector<1x16xf32>,
      %swap3A_58 = vector.shape_cast %swap3A_57 : vector<1x16xf32> to vector<16xf32>
      %swap3A_59 = vector.shape_cast %broadcast_in_dim3A_0 : vector<16xf32> to vector<1x16xf32>
      tpu.vector_store %arg10[%swap3A_55, %swap3A_56], %swap3A_59 {strides = array<i32>} : memref<208x64xf32, #tpu.memory_space<vmem>>, vector<1x16xf32>,
      %swap3A_60 = arith.index_cast %scan3A_44 : i32 to index
      %swap3A_61 = arith.constant 48 : index
      %swap3A_62 = tpu.vector_load %arg10[%swap3A_60, %swap3A_61] {strides = array<i32>} : memref<208x64xf32, #tpu.memory_space<vmem>>, vector<1x16xf32>,
      %swap3A_63 = vector.shape_cast %swap3A_62 : vector<1x16xf32> to vector<16xf32>
      %swap3A_64 = vector.shape_cast %broadcast_in_dim3A_0 : vector<16xf32> to vector<1x16xf32>
      tpu.vector_store %arg10[%swap3A_60, %swap3A_61], %swap3A_64 {strides = array<i32>} : memref<208x64xf32, #tpu.memory_space<vmem>>, vector<1x16xf32>,
      %scan3A_65 = arith.constant 0 : i32
      scf.yield %scan3A_65 : i32
    }
    %scan3A_6 = arith.constant 208 : i32
    %mul3A = arith.constant 624 : i32
    %mul3A_7 = arith.muli %arg1, %mul3A : i32
    %add3A = arith.constant 0 : i32
    %add3A_8 = arith.addi %mul3A_7, %add3A : i32
    "tpu.region"() ({
      %run_scoped3A = tpu.sem_alloc : memref<!tpu.dma_semaphore, #tpu.memory_space<semaphore_mem>>
      %dma_start3A_44 = arith.constant 0 : i32
      %dma_start3A_45 = tpu.memref_slice %arg11[%add3A_8, %dma_start3A_44] : memref<10000x64xf32, #tpu.memory_space<vmem_shared>> -> memref<208x64xf32, #tpu.memory_space<vmem_shared>>
      %dma_start3A_46 = arith.constant 0 : i32
      %dma_start3A_47 = tpu.memref_slice %arg11[%add3A_8, %dma_start3A_46] : memref<10000x64xf32, #tpu.memory_space<vmem_shared>> -> memref<208x64xf32, #tpu.memory_space<vmem_shared>>
      tpu.enqueue_dma source(%arg10 : memref<208x64xf32, #tpu.memory_space<vmem>>) target(%dma_start3A_47 : memref<208x64xf32, #tpu.memory_space<vmem_shared>>) target_semaphore(%run_scoped3A : memref<!tpu.dma_semaphore, #tpu.memory_space<semaphore_mem>>)
      %dma_wait3A = arith.constant 0 : i32
      %dma_wait3A_48 = tpu.memref_slice %arg11[%add3A_8, %dma_wait3A] : memref<10000x64xf32, #tpu.memory_space<vmem_shared>> -> memref<208x64xf32, #tpu.memory_space<vmem_shared>>
      %dma_wait3A_49 = arith.constant 0 : i32
      %dma_wait3A_50 = tpu.memref_slice %arg11[%add3A_8, %dma_wait3A_49] : memref<10000x64xf32, #tpu.memory_space<vmem_shared>> -> memref<208x64xf32, #tpu.memory_space<vmem_shared>>
      tpu.wait_dma2 semaphore(%run_scoped3A : memref<!tpu.dma_semaphore, #tpu.memory_space<semaphore_mem>>) src(%arg10 : memref<208x64xf32, #tpu.memory_space<vmem>>) dst(%dma_wait3A_50 : memref<208x64xf32, #tpu.memory_space<vmem_shared>>)
      tpu.yield
    }) : () -> ()
    %mul3A_9 = arith.constant 624 : i32
    %mul3A_10 = arith.muli %arg1, %mul3A_9 : i32
    %add3A_11 = arith.constant 208 : i32
    %add3A_12 = arith.addi %mul3A_10, %add3A_11 : i32
    "tpu.region"() ({
      %run_scoped3A = tpu.sem_alloc : memref<!tpu.dma_semaphore, #tpu.memory_space<semaphore_mem>>
      %dma_start3A_44 = arith.constant 0 : i32
      %dma_start3A_45 = tpu.memref_slice %arg11[%add3A_12, %dma_start3A_44] : memref<10000x64xf32, #tpu.memory_space<vmem_shared>> -> memref<208x64xf32, #tpu.memory_space<vmem_shared>>
      %dma_start3A_46 = arith.constant 0 : i32
      %dma_start3A_47 = tpu.memref_slice %arg11[%add3A_12, %dma_start3A_46] : memref<10000x64xf32, #tpu.memory_space<vmem_shared>> -> memref<208x64xf32, #tpu.memory_space<vmem_shared>>
      tpu.enqueue_dma source(%arg10 : memref<208x64xf32, #tpu.memory_space<vmem>>) target(%dma_start3A_47 : memref<208x64xf32, #tpu.memory_space<vmem_shared>>) target_semaphore(%run_scoped3A : memref<!tpu.dma_semaphore, #tpu.memory_space<semaphore_mem>>)
      %dma_wait3A = arith.constant 0 : i32
      %dma_wait3A_48 = tpu.memref_slice %arg11[%add3A_12, %dma_wait3A] : memref<10000x64xf32, #tpu.memory_space<vmem_shared>> -> memref<208x64xf32, #tpu.memory_space<vmem_shared>>
      %dma_wait3A_49 = arith.constant 0 : i32
      %dma_wait3A_50 = tpu.memref_slice %arg11[%add3A_12, %dma_wait3A_49] : memref<10000x64xf32, #tpu.memory_space<vmem_shared>> -> memref<208x64xf32, #tpu.memory_space<vmem_shared>>
      tpu.wait_dma2 semaphore(%run_scoped3A : memref<!tpu.dma_semaphore, #tpu.memory_space<semaphore_mem>>) src(%arg10 : memref<208x64xf32, #tpu.memory_space<vmem>>) dst(%dma_wait3A_50 : memref<208x64xf32, #tpu.memory_space<vmem_shared>>)
      tpu.yield
    }) : () -> ()
    %mul3A_13 = arith.constant 624 : i32
    %mul3A_14 = arith.muli %arg1, %mul3A_13 : i32
    %add3A_15 = arith.constant 416 : i32
    %add3A_16 = arith.addi %mul3A_14, %add3A_15 : i32
    "tpu.region"() ({
      %run_scoped3A = tpu.sem_alloc : memref<!tpu.dma_semaphore, #tpu.memory_space<semaphore_mem>>
      %dma_start3A_44 = arith.constant 0 : i32
      %dma_start3A_45 = tpu.memref_slice %arg11[%add3A_16, %dma_start3A_44] : memref<10000x64xf32, #tpu.memory_space<vmem_shared>> -> memref<208x64xf32, #tpu.memory_space<vmem_shared>>
      %dma_start3A_46 = arith.constant 0 : i32
      %dma_start3A_47 = tpu.memref_slice %arg11[%add3A_16, %dma_start3A_46] : memref<10000x64xf32, #tpu.memory_space<vmem_shared>> -> memref<208x64xf32, #tpu.memory_space<vmem_shared>>
      tpu.enqueue_dma source(%arg10 : memref<208x64xf32, #tpu.memory_space<vmem>>) target(%dma_start3A_47 : memref<208x64xf32, #tpu.memory_space<vmem_shared>>) target_semaphore(%run_scoped3A : memref<!tpu.dma_semaphore, #tpu.memory_space<semaphore_mem>>)
      %dma_wait3A = arith.constant 0 : i32
      %dma_wait3A_48 = tpu.memref_slice %arg11[%add3A_16, %dma_wait3A] : memref<10000x64xf32, #tpu.memory_space<vmem_shared>> -> memref<208x64xf32, #tpu.memory_space<vmem_shared>>
      %dma_wait3A_49 = arith.constant 0 : i32
      %dma_wait3A_50 = tpu.memref_slice %arg11[%add3A_16, %dma_wait3A_49] : memref<10000x64xf32, #tpu.memory_space<vmem_shared>> -> memref<208x64xf32, #tpu.memory_space<vmem_shared>>
      tpu.wait_dma2 semaphore(%run_scoped3A : memref<!tpu.dma_semaphore, #tpu.memory_space<semaphore_mem>>) src(%arg10 : memref<208x64xf32, #tpu.memory_space<vmem>>) dst(%dma_wait3A_50 : memref<208x64xf32, #tpu.memory_space<vmem_shared>>)
      tpu.yield
    }) : () -> ()
    %eq3A = arith.constant 0 : i32
    %eq3A_17 = arith.cmpi eq, %arg1, %eq3A : i32
    %convert_element_type3A = arith.extui %eq3A_17 : i1 to i32
    %cond3A = arith.constant 0 : i32
    %cond3A_18 = arith.cmpi ne, %convert_element_type3A, %cond3A : i32
    scf.if %cond3A_18 {
      "tpu.region"() ({
        %run_scoped3A = tpu.sem_alloc : memref<!tpu.dma_semaphore, #tpu.memory_space<semaphore_mem>>
        %dma_start3A_44 = arith.constant 0 : i32
        %dma_start3A_45 = arith.constant 0 : i32
        %dma_start3A_46 = tpu.memref_slice %arg10[%dma_start3A_44, %dma_start3A_45] : memref<208x64xf32, #tpu.memory_space<vmem>> -> memref<16x64xf32, #tpu.memory_space<vmem>>
        %dma_start3A_47 = arith.constant 9984 : i32
        %dma_start3A_48 = arith.constant 0 : i32
        %dma_start3A_49 = tpu.memref_slice %arg11[%dma_start3A_47, %dma_start3A_48] : memref<10000x64xf32, #tpu.memory_space<vmem_shared>> -> memref<16x64xf32, #tpu.memory_space<vmem_shared>>
        %dma_start3A_50 = arith.constant 9984 : i32
        %dma_start3A_51 = arith.constant 0 : i32
        %dma_start3A_52 = tpu.memref_slice %arg11[%dma_start3A_50, %dma_start3A_51] : memref<10000x64xf32, #tpu.memory_space<vmem_shared>> -> memref<16x64xf32, #tpu.memory_space<vmem_shared>>
        %dma_start3A_53 = arith.constant 0 : i32
        %dma_start3A_54 = arith.constant 0 : i32
        %dma_start3A_55 = tpu.memref_slice %arg10[%dma_start3A_53, %dma_start3A_54] : memref<208x64xf32, #tpu.memory_space<vmem>> -> memref<16x64xf32, #tpu.memory_space<vmem>>
        tpu.enqueue_dma source(%dma_start3A_55 : memref<16x64xf32, #tpu.memory_space<vmem>>) target(%dma_start3A_52 : memref<16x64xf32, #tpu.memory_space<vmem_shared>>) target_semaphore(%run_scoped3A : memref<!tpu.dma_semaphore, #tpu.memory_space<semaphore_mem>>)
        %dma_wait3A = arith.constant 0 : i32
        %dma_wait3A_56 = arith.constant 0 : i32
        %dma_wait3A_57 = tpu.memref_slice %arg10[%dma_wait3A, %dma_wait3A_56] : memref<208x64xf32, #tpu.memory_space<vmem>> -> memref<16x64xf32, #tpu.memory_space<vmem>>
        %dma_wait3A_58 = arith.constant 9984 : i32
        %dma_wait3A_59 = arith.constant 0 : i32
        %dma_wait3A_60 = tpu.memref_slice %arg11[%dma_wait3A_58, %dma_wait3A_59] : memref<10000x64xf32, #tpu.memory_space<vmem_shared>> -> memref<16x64xf32, #tpu.memory_space<vmem_shared>>
        %dma_wait3A_61 = arith.constant 9984 : i32
        %dma_wait3A_62 = arith.constant 0 : i32
        %dma_wait3A_63 = tpu.memref_slice %arg11[%dma_wait3A_61, %dma_wait3A_62] : memref<10000x64xf32, #tpu.memory_space<vmem_shared>> -> memref<16x64xf32, #tpu.memory_space<vmem_shared>>
        %dma_wait3A_64 = arith.constant 0 : i32
        %dma_wait3A_65 = arith.constant 0 : i32
        %dma_wait3A_66 = tpu.memref_slice %arg10[%dma_wait3A_64, %dma_wait3A_65] : memref<208x64xf32, #tpu.memory_space<vmem>> -> memref<16x64xf32, #tpu.memory_space<vmem>>
        tpu.wait_dma2 semaphore(%run_scoped3A : memref<!tpu.dma_semaphore, #tpu.memory_space<semaphore_mem>>) src(%dma_wait3A_66 : memref<16x64xf32, #tpu.memory_space<vmem>>) dst(%dma_wait3A_63 : memref<16x64xf32, #tpu.memory_space<vmem_shared>>)
        tpu.yield
      }) : () -> ()
    } else {
    }
    %barrier3A = arith.constant 0 : index
    tpu.barrier barrier_id(%barrier3A)
    "tpu.region"() ({
      %run_scoped3A = tpu.sem_alloc : memref<!tpu.dma_semaphore, #tpu.memory_space<semaphore_mem>>
      %dma_start3A_44 = arith.constant 0 : i32
      %dma_start3A_45 = arith.constant 0 : i32
      %dma_start3A_46 = tpu.memref_slice %arg3[%arg1, %dma_start3A_44, %dma_start3A_45] : memref<16x160x125xi32, #tpu.memory_space<hbm>> -> memref<1x160x125xi32, #tpu.memory_space<hbm>>
      %dma_start3A_47 = tpu.memref_squeeze %dma_start3A_46 : memref<1x160x125xi32, #tpu.memory_space<hbm>> -> memref<160x125xi32, #tpu.memory_space<hbm>>
      %dma_start3A_48 = arith.constant 0 : i32
      %dma_start3A_49 = arith.constant 0 : i32
      %dma_start3A_50 = tpu.memref_slice %arg3[%arg1, %dma_start3A_48, %dma_start3A_49] : memref<16x160x125xi32, #tpu.memory_space<hbm>> -> memref<1x160x125xi32, #tpu.memory_space<hbm>>
      %dma_start3A_51 = tpu.memref_squeeze %dma_start3A_50 : memref<1x160x125xi32, #tpu.memory_space<hbm>> -> memref<160x125xi32, #tpu.memory_space<hbm>>
      tpu.enqueue_dma source(%dma_start3A_51 : memref<160x125xi32, #tpu.memory_space<hbm>>) target(%arg6 : memref<160x125xi32, #tpu.memory_space<vmem>>) target_semaphore(%run_scoped3A : memref<!tpu.dma_semaphore, #tpu.memory_space<semaphore_mem>>)
      %dma_wait3A = arith.constant 0 : i32
      %dma_wait3A_52 = arith.constant 0 : i32
      %dma_wait3A_53 = tpu.memref_slice %arg3[%arg1, %dma_wait3A, %dma_wait3A_52] : memref<16x160x125xi32, #tpu.memory_space<hbm>> -> memref<1x160x125xi32, #tpu.memory_space<hbm>>
      %dma_wait3A_54 = tpu.memref_squeeze %dma_wait3A_53 : memref<1x160x125xi32, #tpu.memory_space<hbm>> -> memref<160x125xi32, #tpu.memory_space<hbm>>
      %dma_wait3A_55 = arith.constant 0 : i32
      %dma_wait3A_56 = arith.constant 0 : i32
      %dma_wait3A_57 = tpu.memref_slice %arg3[%arg1, %dma_wait3A_55, %dma_wait3A_56] : memref<16x160x125xi32, #tpu.memory_space<hbm>> -> memref<1x160x125xi32, #tpu.memory_space<hbm>>
      %dma_wait3A_58 = tpu.memref_squeeze %dma_wait3A_57 : memref<1x160x125xi32, #tpu.memory_space<hbm>> -> memref<160x125xi32, #tpu.memory_space<hbm>>
      tpu.wait_dma2 semaphore(%run_scoped3A : memref<!tpu.dma_semaphore, #tpu.memory_space<semaphore_mem>>) src(%dma_wait3A_58 : memref<160x125xi32, #tpu.memory_space<hbm>>) dst(%arg6 : memref<160x125xi32, #tpu.memory_space<vmem>>)
      tpu.yield
    }) : () -> ()
    "tpu.region"() ({
      %run_scoped3A = tpu.sem_alloc : memref<!tpu.dma_semaphore, #tpu.memory_space<semaphore_mem>>
      %dma_start3A_44 = arith.constant 0 : i32
      %dma_start3A_45 = arith.constant 0 : i32
      %dma_start3A_46 = tpu.memref_slice %arg4[%arg1, %dma_start3A_44, %dma_start3A_45] : memref<16x160x125xi32, #tpu.memory_space<hbm>> -> memref<1x160x125xi32, #tpu.memory_space<hbm>>
      %dma_start3A_47 = tpu.memref_squeeze %dma_start3A_46 : memref<1x160x125xi32, #tpu.memory_space<hbm>> -> memref<160x125xi32, #tpu.memory_space<hbm>>
      %dma_start3A_48 = arith.constant 0 : i32
      %dma_start3A_49 = arith.constant 0 : i32
      %dma_start3A_50 = tpu.memref_slice %arg4[%arg1, %dma_start3A_48, %dma_start3A_49] : memref<16x160x125xi32, #tpu.memory_space<hbm>> -> memref<1x160x125xi32, #tpu.memory_space<hbm>>
      %dma_start3A_51 = tpu.memref_squeeze %dma_start3A_50 : memref<1x160x125xi32, #tpu.memory_space<hbm>> -> memref<160x125xi32, #tpu.memory_space<hbm>>
      tpu.enqueue_dma source(%dma_start3A_51 : memref<160x125xi32, #tpu.memory_space<hbm>>) target(%arg7 : memref<160x125xi32, #tpu.memory_space<vmem>>) target_semaphore(%run_scoped3A : memref<!tpu.dma_semaphore, #tpu.memory_space<semaphore_mem>>)
      %dma_wait3A = arith.constant 0 : i32
      %dma_wait3A_52 = arith.constant 0 : i32
      %dma_wait3A_53 = tpu.memref_slice %arg4[%arg1, %dma_wait3A, %dma_wait3A_52] : memref<16x160x125xi32, #tpu.memory_space<hbm>> -> memref<1x160x125xi32, #tpu.memory_space<hbm>>
      %dma_wait3A_54 = tpu.memref_squeeze %dma_wait3A_53 : memref<1x160x125xi32, #tpu.memory_space<hbm>> -> memref<160x125xi32, #tpu.memory_space<hbm>>
      %dma_wait3A_55 = arith.constant 0 : i32
      %dma_wait3A_56 = arith.constant 0 : i32
      %dma_wait3A_57 = tpu.memref_slice %arg4[%arg1, %dma_wait3A_55, %dma_wait3A_56] : memref<16x160x125xi32, #tpu.memory_space<hbm>> -> memref<1x160x125xi32, #tpu.memory_space<hbm>>
      %dma_wait3A_58 = tpu.memref_squeeze %dma_wait3A_57 : memref<1x160x125xi32, #tpu.memory_space<hbm>> -> memref<160x125xi32, #tpu.memory_space<hbm>>
      tpu.wait_dma2 semaphore(%run_scoped3A : memref<!tpu.dma_semaphore, #tpu.memory_space<semaphore_mem>>) src(%dma_wait3A_58 : memref<160x125xi32, #tpu.memory_space<hbm>>) dst(%arg7 : memref<160x125xi32, #tpu.memory_space<vmem>>)
      tpu.yield
    }) : () -> ()
    %dma_start3A = arith.constant 0 : i32
    %dma_start3A_19 = arith.constant 0 : i32
    %dma_start3A_20 = tpu.memref_slice %arg6[%dma_start3A, %dma_start3A_19] : memref<160x125xi32, #tpu.memory_space<vmem>> -> memref<1x125xi32, #tpu.memory_space<vmem>>
    %dma_start3A_21 = tpu.memref_squeeze %dma_start3A_20 : memref<1x125xi32, #tpu.memory_space<vmem>> -> memref<125xi32, #tpu.memory_space<vmem>>
    %dma_start3A_22 = arith.constant 0 : i32
    %dma_start3A_23 = arith.constant 0 : i32
    %dma_start3A_24 = tpu.memref_slice %arg2[%arg0, %dma_start3A_22, %dma_start3A_23] : memref<2x10000x64xf32, #tpu.memory_space<hbm>> -> memref<1x10000x64xf32, #tpu.memory_space<hbm>>
    %dma_start3A_25 = tpu.memref_squeeze %dma_start3A_24 : memref<1x10000x64xf32, #tpu.memory_space<hbm>> -> memref<10000x64xf32, #tpu.memory_space<hbm>>
    %dma_start3A_26 = arith.constant 0 : i32
    %dma_start3A_27 = arith.constant 0 : i32
    %dma_start3A_28 = tpu.memref_slice %dma_start3A_25[%dma_start3A_26, %dma_start3A_27] : memref<10000x64xf32, #tpu.memory_space<hbm>> -> memref<10000x64xf32, #tpu.memory_space<hbm>>
    tpu.enqueue_indirect_dma source(%dma_start3A_28 : memref<10000x64xf32, #tpu.memory_space<hbm>>) target(%arg8 : memref<125x64xf32, #tpu.memory_space<vmem>>) offsets(%dma_start3A_21 : memref<125xi32, #tpu.memory_space<vmem>>) semaphore(%arg12 : memref<!tpu.dma_semaphore, #tpu.memory_space<semaphore_mem>>)
    %scan3A_29 = arith.constant 0 : i32
    %scan3A_30 = arith.constant 0 : i32
    %scan3A_31 = arith.constant 160 : i32
    %scan3A_32 = arith.addi %scan3A_30, %scan3A_31 : i32
    %scan3A_33 = arith.constant 1 : i32
    %scan3A_34 = scf.for %scan3A_44 = %scan3A_30 to %scan3A_32 step %scan3A_33 iter_args(%scan3A_45 = %scan3A_29) -> (i32)  : i32 {
      %jit3A = arith.constant 2 : i32
      %eq3A_46 = arith.constant 0 : i32
      %eq3A_47 = arith.cmpi eq, %jit3A, %eq3A_46 : i32
      %jit3A_48 = arith.constant 1 : i32
      %select_n3A = arith.select %eq3A_47, %jit3A_48, %jit3A : i32
      %rem3A = arith.remsi %scan3A_44, %select_n3A : i32
      %ne3A = arith.constant 0 : i32
      %ne3A_49 = arith.cmpi ne, %rem3A, %ne3A : i32
      %lt3A = arith.constant 0 : i32
      %lt3A_50 = arith.cmpi slt, %rem3A, %lt3A : i32
      %lt3A_51 = arith.constant 0 : i32
      %lt3A_52 = arith.cmpi slt, %select_n3A, %lt3A_51 : i32
      %ne3A_53 = arith.xori %lt3A_50, %lt3A_52 : i1
      %and3A = arith.andi %ne3A_53, %ne3A_49 : i1
      %add3A_54 = arith.addi %rem3A, %select_n3A : i32
      %select_n3A_55 = arith.select %and3A, %add3A_54, %rem3A : i32
      %eq3A_56 = arith.constant 0 : i32
      %eq3A_57 = arith.cmpi eq, %select_n3A_55, %eq3A_56 : i32
      %convert_element_type3A_58 = arith.extui %eq3A_57 : i1 to i32
      %cond3A_59 = arith.constant 0 : i32
      %cond3A_60 = arith.cmpi ne, %convert_element_type3A_58, %cond3A_59 : i32
      scf.if %cond3A_60 {
        %add3A_83 = arith.constant 1 : i32
        %add3A_84 = arith.addi %scan3A_44, %add3A_83 : i32
        %lt3A_85 = arith.constant 160 : i32
        %lt3A_86 = arith.cmpi slt, %add3A_84, %lt3A_85 : i32
        %convert_element_type3A_87 = arith.extui %lt3A_86 : i1 to i32
        %cond3A_88 = arith.constant 0 : i32
        %cond3A_89 = arith.cmpi ne, %convert_element_type3A_87, %cond3A_88 : i32
        scf.if %cond3A_89 {
          %add3A_100 = arith.constant 1 : i32
          %add3A_101 = arith.addi %scan3A_44, %add3A_100 : i32
          %dma_start3A_102 = arith.constant 0 : i32
          %dma_start3A_103 = tpu.memref_slice %arg6[%add3A_101, %dma_start3A_102] : memref<160x125xi32, #tpu.memory_space<vmem>> -> memref<1x125xi32, #tpu.memory_space<vmem>>
          %dma_start3A_104 = tpu.memref_squeeze %dma_start3A_103 : memref<1x125xi32, #tpu.memory_space<vmem>> -> memref<125xi32, #tpu.memory_space<vmem>>
          %dma_start3A_105 = arith.constant 0 : i32
          %dma_start3A_106 = arith.constant 0 : i32
          %dma_start3A_107 = tpu.memref_slice %arg2[%arg0, %dma_start3A_105, %dma_start3A_106] : memref<2x10000x64xf32, #tpu.memory_space<hbm>> -> memref<1x10000x64xf32, #tpu.memory_space<hbm>>
          %dma_start3A_108 = tpu.memref_squeeze %dma_start3A_107 : memref<1x10000x64xf32, #tpu.memory_space<hbm>> -> memref<10000x64xf32, #tpu.memory_space<hbm>>
          %dma_start3A_109 = arith.constant 0 : i32
          %dma_start3A_110 = arith.constant 0 : i32
          %dma_start3A_111 = tpu.memref_slice %dma_start3A_108[%dma_start3A_109, %dma_start3A_110] : memref<10000x64xf32, #tpu.memory_space<hbm>> -> memref<10000x64xf32, #tpu.memory_space<hbm>>
          tpu.enqueue_indirect_dma source(%dma_start3A_111 : memref<10000x64xf32, #tpu.memory_space<hbm>>) target(%arg9 : memref<125x64xf32, #tpu.memory_space<vmem>>) offsets(%dma_start3A_104 : memref<125xi32, #tpu.memory_space<vmem>>) semaphore(%arg13 : memref<!tpu.dma_semaphore, #tpu.memory_space<semaphore_mem>>)
        } else {
        }
        %dma_wait3A = arith.constant 0 : i32
        %dma_wait3A_90 = arith.constant 0 : i32
        %dma_wait3A_91 = tpu.memref_slice %arg6[%dma_wait3A, %dma_wait3A_90] : memref<160x125xi32, #tpu.memory_space<vmem>> -> memref<1x125xi32, #tpu.memory_space<vmem>>
        %dma_wait3A_92 = tpu.memref_squeeze %dma_wait3A_91 : memref<1x125xi32, #tpu.memory_space<vmem>> -> memref<125xi32, #tpu.memory_space<vmem>>
        %dma_wait3A_93 = arith.constant 0 : i32
        %dma_wait3A_94 = arith.constant 0 : i32
        %dma_wait3A_95 = tpu.memref_slice %arg2[%arg0, %dma_wait3A_93, %dma_wait3A_94] : memref<2x10000x64xf32, #tpu.memory_space<hbm>> -> memref<1x10000x64xf32, #tpu.memory_space<hbm>>
        %dma_wait3A_96 = tpu.memref_squeeze %dma_wait3A_95 : memref<1x10000x64xf32, #tpu.memory_space<hbm>> -> memref<10000x64xf32, #tpu.memory_space<hbm>>
        %dma_wait3A_97 = arith.constant 0 : i32
        %dma_wait3A_98 = arith.constant 0 : i32
        %dma_wait3A_99 = tpu.memref_slice %dma_wait3A_96[%dma_wait3A_97, %dma_wait3A_98] : memref<10000x64xf32, #tpu.memory_space<hbm>> -> memref<10000x64xf32, #tpu.memory_space<hbm>>
        tpu.wait_indirect_dma semaphore(%arg12 : memref<!tpu.dma_semaphore, #tpu.memory_space<semaphore_mem>>) src(%dma_wait3A_99 : memref<10000x64xf32, #tpu.memory_space<hbm>>) dst(%arg8 : memref<125x64xf32, #tpu.memory_space<vmem>>)
        "tpu.region"() ({
          %run_scoped3A = tpu.sem_alloc : memref<!tpu.dma_semaphore, #tpu.memory_space<semaphore_mem>>
          %dma_start3A_100 = arith.constant 0 : i32
          %dma_start3A_101 = tpu.memref_slice %arg7[%scan3A_44, %dma_start3A_100] : memref<160x125xi32, #tpu.memory_space<vmem>> -> memref<1x125xi32, #tpu.memory_space<vmem>>
          %dma_start3A_102 = tpu.memref_squeeze %dma_start3A_101 : memref<1x125xi32, #tpu.memory_space<vmem>> -> memref<125xi32, #tpu.memory_space<vmem>>
          %dma_start3A_103 = arith.constant 0 : i32
          %dma_start3A_104 = arith.constant 0 : i32
          %dma_start3A_105 = tpu.memref_slice %arg11[%dma_start3A_103, %dma_start3A_104] : memref<10000x64xf32, #tpu.memory_space<vmem_shared>> -> memref<10000x64xf32, #tpu.memory_space<vmem_shared>>
          tpu.enqueue_indirect_dma source(%arg8 : memref<125x64xf32, #tpu.memory_space<vmem>>) target(%dma_start3A_105 : memref<10000x64xf32, #tpu.memory_space<vmem_shared>>) offsets(%dma_start3A_102 : memref<125xi32, #tpu.memory_space<vmem>>) semaphore(%run_scoped3A : memref<!tpu.dma_semaphore, #tpu.memory_space<semaphore_mem>>) {add = true}
          %dma_wait3A_106 = arith.constant 0 : i32
          %dma_wait3A_107 = tpu.memref_slice %arg7[%scan3A_44, %dma_wait3A_106] : memref<160x125xi32, #tpu.memory_space<vmem>> -> memref<1x125xi32, #tpu.memory_space<vmem>>
          %dma_wait3A_108 = tpu.memref_squeeze %dma_wait3A_107 : memref<1x125xi32, #tpu.memory_space<vmem>> -> memref<125xi32, #tpu.memory_space<vmem>>
          %dma_wait3A_109 = arith.constant 0 : i32
          %dma_wait3A_110 = arith.constant 0 : i32
          %dma_wait3A_111 = tpu.memref_slice %arg11[%dma_wait3A_109, %dma_wait3A_110] : memref<10000x64xf32, #tpu.memory_space<vmem_shared>> -> memref<10000x64xf32, #tpu.memory_space<vmem_shared>>
          tpu.wait_indirect_dma semaphore(%run_scoped3A : memref<!tpu.dma_semaphore, #tpu.memory_space<semaphore_mem>>) src(%arg8 : memref<125x64xf32, #tpu.memory_space<vmem>>) dst(%dma_wait3A_111 : memref<10000x64xf32, #tpu.memory_space<vmem_shared>>)
          tpu.yield
        }) : () -> ()
      } else {
      }
      %jit3A_61 = arith.constant 2 : i32
      %eq3A_62 = arith.constant 0 : i32
      %eq3A_63 = arith.cmpi eq, %jit3A_61, %eq3A_62 : i32
      %jit3A_64 = arith.constant 1 : i32
      %select_n3A_65 = arith.select %eq3A_63, %jit3A_64, %jit3A_61 : i32
      %rem3A_66 = arith.remsi %scan3A_44, %select_n3A_65 : i32
      %ne3A_67 = arith.constant 0 : i32
      %ne3A_68 = arith.cmpi ne, %rem3A_66, %ne3A_67 : i32
      %lt3A_69 = arith.constant 0 : i32
      %lt3A_70 = arith.cmpi slt, %rem3A_66, %lt3A_69 : i32
      %lt3A_71 = arith.constant 0 : i32
      %lt3A_72 = arith.cmpi slt, %select_n3A_65, %lt3A_71 : i32
      %ne3A_73 = arith.xori %lt3A_70, %lt3A_72 : i1
      %and3A_74 = arith.andi %ne3A_73, %ne3A_68 : i1
      %add3A_75 = arith.addi %rem3A_66, %select_n3A_65 : i32
      %select_n3A_76 = arith.select %and3A_74, %add3A_75, %rem3A_66 : i32
      %eq3A_77 = arith.constant 1 : i32
      %eq3A_78 = arith.cmpi eq, %select_n3A_76, %eq3A_77 : i32
      %convert_element_type3A_79 = arith.extui %eq3A_78 : i1 to i32
      %cond3A_80 = arith.constant 0 : i32
      %cond3A_81 = arith.cmpi ne, %convert_element_type3A_79, %cond3A_80 : i32
      scf.if %cond3A_81 {
        %add3A_83 = arith.constant 1 : i32
        %add3A_84 = arith.addi %scan3A_44, %add3A_83 : i32
        %lt3A_85 = arith.constant 160 : i32
        %lt3A_86 = arith.cmpi slt, %add3A_84, %lt3A_85 : i32
        %convert_element_type3A_87 = arith.extui %lt3A_86 : i1 to i32
        %cond3A_88 = arith.constant 0 : i32
        %cond3A_89 = arith.cmpi ne, %convert_element_type3A_87, %cond3A_88 : i32
        scf.if %cond3A_89 {
          %add3A_100 = arith.constant 1 : i32
          %add3A_101 = arith.addi %scan3A_44, %add3A_100 : i32
          %dma_start3A_102 = arith.constant 0 : i32
          %dma_start3A_103 = tpu.memref_slice %arg6[%add3A_101, %dma_start3A_102] : memref<160x125xi32, #tpu.memory_space<vmem>> -> memref<1x125xi32, #tpu.memory_space<vmem>>
          %dma_start3A_104 = tpu.memref_squeeze %dma_start3A_103 : memref<1x125xi32, #tpu.memory_space<vmem>> -> memref<125xi32, #tpu.memory_space<vmem>>
          %dma_start3A_105 = arith.constant 0 : i32
          %dma_start3A_106 = arith.constant 0 : i32
          %dma_start3A_107 = tpu.memref_slice %arg2[%arg0, %dma_start3A_105, %dma_start3A_106] : memref<2x10000x64xf32, #tpu.memory_space<hbm>> -> memref<1x10000x64xf32, #tpu.memory_space<hbm>>
          %dma_start3A_108 = tpu.memref_squeeze %dma_start3A_107 : memref<1x10000x64xf32, #tpu.memory_space<hbm>> -> memref<10000x64xf32, #tpu.memory_space<hbm>>
          %dma_start3A_109 = arith.constant 0 : i32
          %dma_start3A_110 = arith.constant 0 : i32
          %dma_start3A_111 = tpu.memref_slice %dma_start3A_108[%dma_start3A_109, %dma_start3A_110] : memref<10000x64xf32, #tpu.memory_space<hbm>> -> memref<10000x64xf32, #tpu.memory_space<hbm>>
          tpu.enqueue_indirect_dma source(%dma_start3A_111 : memref<10000x64xf32, #tpu.memory_space<hbm>>) target(%arg8 : memref<125x64xf32, #tpu.memory_space<vmem>>) offsets(%dma_start3A_104 : memref<125xi32, #tpu.memory_space<vmem>>) semaphore(%arg12 : memref<!tpu.dma_semaphore, #tpu.memory_space<semaphore_mem>>)
        } else {
        }
        %dma_wait3A = arith.constant 0 : i32
        %dma_wait3A_90 = arith.constant 0 : i32
        %dma_wait3A_91 = tpu.memref_slice %arg6[%dma_wait3A, %dma_wait3A_90] : memref<160x125xi32, #tpu.memory_space<vmem>> -> memref<1x125xi32, #tpu.memory_space<vmem>>
        %dma_wait3A_92 = tpu.memref_squeeze %dma_wait3A_91 : memref<1x125xi32, #tpu.memory_space<vmem>> -> memref<125xi32, #tpu.memory_space<vmem>>
        %dma_wait3A_93 = arith.constant 0 : i32
        %dma_wait3A_94 = arith.constant 0 : i32
        %dma_wait3A_95 = tpu.memref_slice %arg2[%arg0, %dma_wait3A_93, %dma_wait3A_94] : memref<2x10000x64xf32, #tpu.memory_space<hbm>> -> memref<1x10000x64xf32, #tpu.memory_space<hbm>>
        %dma_wait3A_96 = tpu.memref_squeeze %dma_wait3A_95 : memref<1x10000x64xf32, #tpu.memory_space<hbm>> -> memref<10000x64xf32, #tpu.memory_space<hbm>>
        %dma_wait3A_97 = arith.constant 0 : i32
        %dma_wait3A_98 = arith.constant 0 : i32
        %dma_wait3A_99 = tpu.memref_slice %dma_wait3A_96[%dma_wait3A_97, %dma_wait3A_98] : memref<10000x64xf32, #tpu.memory_space<hbm>> -> memref<10000x64xf32, #tpu.memory_space<hbm>>
        tpu.wait_indirect_dma semaphore(%arg13 : memref<!tpu.dma_semaphore, #tpu.memory_space<semaphore_mem>>) src(%dma_wait3A_99 : memref<10000x64xf32, #tpu.memory_space<hbm>>) dst(%arg9 : memref<125x64xf32, #tpu.memory_space<vmem>>)
        "tpu.region"() ({
          %run_scoped3A = tpu.sem_alloc : memref<!tpu.dma_semaphore, #tpu.memory_space<semaphore_mem>>
          %dma_start3A_100 = arith.constant 0 : i32
          %dma_start3A_101 = tpu.memref_slice %arg7[%scan3A_44, %dma_start3A_100] : memref<160x125xi32, #tpu.memory_space<vmem>> -> memref<1x125xi32, #tpu.memory_space<vmem>>
          %dma_start3A_102 = tpu.memref_squeeze %dma_start3A_101 : memref<1x125xi32, #tpu.memory_space<vmem>> -> memref<125xi32, #tpu.memory_space<vmem>>
          %dma_start3A_103 = arith.constant 0 : i32
          %dma_start3A_104 = arith.constant 0 : i32
          %dma_start3A_105 = tpu.memref_slice %arg11[%dma_start3A_103, %dma_start3A_104] : memref<10000x64xf32, #tpu.memory_space<vmem_shared>> -> memref<10000x64xf32, #tpu.memory_space<vmem_shared>>
          tpu.enqueue_indirect_dma source(%arg9 : memref<125x64xf32, #tpu.memory_space<vmem>>) target(%dma_start3A_105 : memref<10000x64xf32, #tpu.memory_space<vmem_shared>>) offsets(%dma_start3A_102 : memref<125xi32, #tpu.memory_space<vmem>>) semaphore(%run_scoped3A : memref<!tpu.dma_semaphore, #tpu.memory_space<semaphore_mem>>) {add = true}
          %dma_wait3A_106 = arith.constant 0 : i32
          %dma_wait3A_107 = tpu.memref_slice %arg7[%scan3A_44, %dma_wait3A_106] : memref<160x125xi32, #tpu.memory_space<vmem>> -> memref<1x125xi32, #tpu.memory_space<vmem>>
          %dma_wait3A_108 = tpu.memref_squeeze %dma_wait3A_107 : memref<1x125xi32, #tpu.memory_space<vmem>> -> memref<125xi32, #tpu.memory_space<vmem>>
          %dma_wait3A_109 = arith.constant 0 : i32
          %dma_wait3A_110 = arith.constant 0 : i32
          %dma_wait3A_111 = tpu.memref_slice %arg11[%dma_wait3A_109, %dma_wait3A_110] : memref<10000x64xf32, #tpu.memory_space<vmem_shared>> -> memref<10000x64xf32, #tpu.memory_space<vmem_shared>>
          tpu.wait_indirect_dma semaphore(%run_scoped3A : memref<!tpu.dma_semaphore, #tpu.memory_space<semaphore_mem>>) src(%arg9 : memref<125x64xf32, #tpu.memory_space<vmem>>) dst(%dma_wait3A_111 : memref<10000x64xf32, #tpu.memory_space<vmem_shared>>)
          tpu.yield
        }) : () -> ()
      } else {
      }
      %scan3A_82 = arith.constant 0 : i32
      scf.yield %scan3A_82 : i32
    }
    %scan3A_35 = arith.constant 160 : i32
    %barrier3A_36 = arith.constant 0 : index
    tpu.barrier barrier_id(%barrier3A_36)
    %mul3A_37 = arith.constant 624 : i32
    %mul3A_38 = arith.muli %arg1, %mul3A_37 : i32
    "tpu.region"() ({
      %run_scoped3A = tpu.sem_alloc : memref<!tpu.dma_semaphore, #tpu.memory_space<semaphore_mem>>
      %dma_start3A_44 = arith.constant 0 : i32
      %dma_start3A_45 = tpu.memref_slice %arg5[%arg0, %mul3A_38, %dma_start3A_44] : memref<2x10000x64xf32, #tpu.memory_space<hbm>> -> memref<1x624x64xf32, #tpu.memory_space<hbm>>
      %dma_start3A_46 = tpu.memref_squeeze %dma_start3A_45 : memref<1x624x64xf32, #tpu.memory_space<hbm>> -> memref<624x64xf32, #tpu.memory_space<hbm>>
      %dma_start3A_47 = arith.constant 0 : i32
      %dma_start3A_48 = tpu.memref_slice %arg11[%mul3A_38, %dma_start3A_47] : memref<10000x64xf32, #tpu.memory_space<vmem_shared>> -> memref<624x64xf32, #tpu.memory_space<vmem_shared>>
      tpu.enqueue_dma source(%dma_start3A_48 : memref<624x64xf32, #tpu.memory_space<vmem_shared>>) target(%dma_start3A_46 : memref<624x64xf32, #tpu.memory_space<hbm>>) target_semaphore(%run_scoped3A : memref<!tpu.dma_semaphore, #tpu.memory_space<semaphore_mem>>)
      %dma_wait3A = arith.constant 0 : i32
      %dma_wait3A_49 = tpu.memref_slice %arg5[%arg0, %mul3A_38, %dma_wait3A] : memref<2x10000x64xf32, #tpu.memory_space<hbm>> -> memref<1x624x64xf32, #tpu.memory_space<hbm>>
      %dma_wait3A_50 = tpu.memref_squeeze %dma_wait3A_49 : memref<1x624x64xf32, #tpu.memory_space<hbm>> -> memref<624x64xf32, #tpu.memory_space<hbm>>
      %dma_wait3A_51 = arith.constant 0 : i32
      %dma_wait3A_52 = tpu.memref_slice %arg11[%mul3A_38, %dma_wait3A_51] : memref<10000x64xf32, #tpu.memory_space<vmem_shared>> -> memref<624x64xf32, #tpu.memory_space<vmem_shared>>
      tpu.wait_dma2 semaphore(%run_scoped3A : memref<!tpu.dma_semaphore, #tpu.memory_space<semaphore_mem>>) src(%dma_wait3A_52 : memref<624x64xf32, #tpu.memory_space<vmem_shared>>) dst(%dma_wait3A_50 : memref<624x64xf32, #tpu.memory_space<hbm>>)
      tpu.yield
    }) : () -> ()
    %eq3A_39 = arith.constant 0 : i32
    %eq3A_40 = arith.cmpi eq, %arg1, %eq3A_39 : i32
    %convert_element_type3A_41 = arith.extui %eq3A_40 : i1 to i32
    %cond3A_42 = arith.constant 0 : i32
    %cond3A_43 = arith.cmpi ne, %convert_element_type3A_41, %cond3A_42 : i32
    scf.if %cond3A_43 {
      "tpu.region"() ({
        %run_scoped3A = tpu.sem_alloc : memref<!tpu.dma_semaphore, #tpu.memory_space<semaphore_mem>>
        %dma_start3A_44 = arith.constant 9984 : i32
        %dma_start3A_45 = arith.constant 0 : i32
        %dma_start3A_46 = tpu.memref_slice %arg5[%arg0, %dma_start3A_44, %dma_start3A_45] : memref<2x10000x64xf32, #tpu.memory_space<hbm>> -> memref<1x16x64xf32, #tpu.memory_space<hbm>>
        %dma_start3A_47 = tpu.memref_squeeze %dma_start3A_46 : memref<1x16x64xf32, #tpu.memory_space<hbm>> -> memref<16x64xf32, #tpu.memory_space<hbm>>
        %dma_start3A_48 = arith.constant 9984 : i32
        %dma_start3A_49 = arith.constant 0 : i32
        %dma_start3A_50 = tpu.memref_slice %arg11[%dma_start3A_48, %dma_start3A_49] : memref<10000x64xf32, #tpu.memory_space<vmem_shared>> -> memref<16x64xf32, #tpu.memory_space<vmem_shared>>
        tpu.enqueue_dma source(%dma_start3A_50 : memref<16x64xf32, #tpu.memory_space<vmem_shared>>) target(%dma_start3A_47 : memref<16x64xf32, #tpu.memory_space<hbm>>) target_semaphore(%run_scoped3A : memref<!tpu.dma_semaphore, #tpu.memory_space<semaphore_mem>>)
        %dma_wait3A = arith.constant 9984 : i32
        %dma_wait3A_51 = arith.constant 0 : i32
        %dma_wait3A_52 = tpu.memref_slice %arg5[%arg0, %dma_wait3A, %dma_wait3A_51] : memref<2x10000x64xf32, #tpu.memory_space<hbm>> -> memref<1x16x64xf32, #tpu.memory_space<hbm>>
        %dma_wait3A_53 = tpu.memref_squeeze %dma_wait3A_52 : memref<1x16x64xf32, #tpu.memory_space<hbm>> -> memref<16x64xf32, #tpu.memory_space<hbm>>
        %dma_wait3A_54 = arith.constant 9984 : i32
        %dma_wait3A_55 = arith.constant 0 : i32
        %dma_wait3A_56 = tpu.memref_slice %arg11[%dma_wait3A_54, %dma_wait3A_55] : memref<10000x64xf32, #tpu.memory_space<vmem_shared>> -> memref<16x64xf32, #tpu.memory_space<vmem_shared>>
        tpu.wait_dma2 semaphore(%run_scoped3A : memref<!tpu.dma_semaphore, #tpu.memory_space<semaphore_mem>>) src(%dma_wait3A_56 : memref<16x64xf32, #tpu.memory_space<vmem_shared>>) dst(%dma_wait3A_53 : memref<16x64xf32, #tpu.memory_space<hbm>>)
        tpu.yield
      }) : () -> ()
    } else {
    }
    return
  }
}

module attributes {stable_mosaic.version = 14 : i64} {
  func.func @_tc_first_body(%arg0: i32, %arg1: memref<400x128xf32, #tpu.memory_space<vmem>>, %arg2: memref<128x128xf32, #tpu.memory_space<vmem>>, %arg3: memref<2x400x16xf32, #tpu.memory_space<vmem>>, %arg4: memref<2x400x64xf32, #tpu.memory_space<vmem>>) attributes {dimension_semantics = [#tpu.dimension_semantics<arbitrary>], iteration_bounds = array<i64: 25>, scalar_prefetch = 0 : i64, scratch_operands = 0 : i64, tpu.core_type = #tpu.core_type<tc>, window_params = [{transform_indices = @transform_0, window_bounds = array<i64: 400, 128>}, {pipeline_mode = #tpu.pipeline_mode<synchronous>, transform_indices = @transform_1, window_bounds = array<i64: 128, 128>}, {transform_indices = @transform_2, window_bounds = array<i64: 2, 400, 16>}, {transform_indices = @transform_3, window_bounds = array<i64: 2, 400, 64>}]} {
    %get3A = arith.constant 0 : index
    %get3A_0 = arith.constant 0 : index
    %get3A_1 = vector.load %arg1[%get3A, %get3A_0] : memref<400x128xf32, #tpu.memory_space<vmem>>, vector<400x128xf32>
    %get3A_2 = arith.constant 0 : index
    %get3A_3 = arith.constant 0 : index
    %get3A_4 = vector.load %arg2[%get3A_2, %get3A_3] : memref<128x128xf32, #tpu.memory_space<vmem>>, vector<128x128xf32>
    %dot_general3A = arith.constant dense<0.000000e+00> : vector<400x128xf32>
    %dot_general3A_5 = tpu.matmul %get3A_1, %get3A_4, %dot_general3A {dimension_numbers = #tpu.dot_dimension_numbers<[1], [0], [0], [1], [0, 0, 1, 1], [], []>, transpose_lhs_hint = false} : vector<400x128xf32>, vector<128x128xf32>, vector<400x128xf32> -> vector<400x128xf32>
    %get3A_6 = arith.constant 0 : index
    %get3A_7 = arith.constant 0 : index
    %get3A_8 = arith.constant 0 : index
    %get3A_9 = vector.load %arg3[%get3A_6, %get3A_7, %get3A_8] : memref<2x400x16xf32, #tpu.memory_space<vmem>>, vector<2x400x16xf32>
    %slice3A = vector.extract_strided_slice %get3A_9 {offsets = [0, 0, 0], sizes = [1, 400, 1], strides = [1, 1, 1]} : vector<2x400x16xf32> to vector<1x400x1xf32>
    %squeeze3A = vector.shape_cast %slice3A : vector<1x400x1xf32> to vector<400xf32>
    %slice3A_10 = vector.extract_strided_slice %get3A_9 {offsets = [1, 0, 0], sizes = [1, 400, 1], strides = [1, 1, 1]} : vector<2x400x16xf32> to vector<1x400x1xf32>
    %squeeze3A_11 = vector.shape_cast %slice3A_10 : vector<1x400x1xf32> to vector<400xf32>
    %add3A = arith.addf %squeeze3A, %squeeze3A_11 : vector<400xf32>
    %add3A_12 = arith.constant 1.000000e+00 : f32
    %add3A_13 = vector.broadcast %add3A_12 : f32 to vector<400xf32>
    %add3A_14 = arith.addf %add3A, %add3A_13 : vector<400xf32>
    %rsqrt3A = math.rsqrt %add3A_14 : vector<400xf32>
    %broadcast_in_dim3A = vector.shape_cast %rsqrt3A : vector<400xf32> to vector<400x1xf32>
    %mul3A = vector.broadcast %broadcast_in_dim3A : vector<400x1xf32> to vector<400x128xf32>
    %mul3A_15 = arith.mulf %dot_general3A_5, %mul3A : vector<400x128xf32>
    %slice3A_16 = vector.extract_strided_slice %mul3A_15 {offsets = [0, 0], sizes = [400, 64], strides = [1, 1]} : vector<400x128xf32> to vector<400x64xf32>
    %swap3A = arith.constant 0 : index
    %swap3A_17 = arith.constant 0 : index
    %swap3A_18 = arith.constant 0 : index
    %swap3A_19 = vector.load %arg4[%swap3A, %swap3A_17, %swap3A_18] : memref<2x400x64xf32, #tpu.memory_space<vmem>>, vector<1x400x64xf32>
    %swap3A_20 = vector.shape_cast %swap3A_19 : vector<1x400x64xf32> to vector<400x64xf32>
    %swap3A_21 = vector.shape_cast %slice3A_16 : vector<400x64xf32> to vector<1x400x64xf32>
    tpu.vector_store %arg4[%swap3A, %swap3A_17, %swap3A_18], %swap3A_21 {strides = array<i32>} : memref<2x400x64xf32, #tpu.memory_space<vmem>>, vector<1x400x64xf32>,
    %slice3A_22 = vector.extract_strided_slice %mul3A_15 {offsets = [0, 64], sizes = [400, 64], strides = [1, 1]} : vector<400x128xf32> to vector<400x64xf32>
    %swap3A_23 = arith.constant 1 : index
    %swap3A_24 = arith.constant 0 : index
    %swap3A_25 = arith.constant 0 : index
    %swap3A_26 = vector.load %arg4[%swap3A_23, %swap3A_24, %swap3A_25] : memref<2x400x64xf32, #tpu.memory_space<vmem>>, vector<1x400x64xf32>
    %swap3A_27 = vector.shape_cast %swap3A_26 : vector<1x400x64xf32> to vector<400x64xf32>
    %swap3A_28 = vector.shape_cast %slice3A_22 : vector<400x64xf32> to vector<1x400x64xf32>
    tpu.vector_store %arg4[%swap3A_23, %swap3A_24, %swap3A_25], %swap3A_28 {strides = array<i32>} : memref<2x400x64xf32, #tpu.memory_space<vmem>>, vector<1x400x64xf32>,
    return
  }
  func.func @transform_0(%arg0: i32) -> (i32, i32) {
    %c0_i32 = arith.constant 0 : i32
    %c0_i32_0 = arith.constant 0 : i32
    return %arg0, %c0_i32 : i32, i32
  }
  func.func @transform_1(%arg0: i32) -> (i32, i32) {
    %c0_i32 = arith.constant 0 : i32
    %c0_i32_0 = arith.constant 0 : i32
    %c0_i32_1 = arith.constant 0 : i32
    return %c0_i32, %c0_i32_0 : i32, i32
  }
  func.func @transform_2(%arg0: i32) -> (i32, i32, i32) {
    %c0_i32 = arith.constant 0 : i32
    %c0_i32_0 = arith.constant 0 : i32
    %c0_i32_1 = arith.constant 0 : i32
    return %c0_i32, %arg0, %c0_i32_0 : i32, i32, i32
  }
  func.func @transform_3(%arg0: i32) -> (i32, i32, i32) {
    %c0_i32 = arith.constant 0 : i32
    %c0_i32_0 = arith.constant 0 : i32
    %c0_i32_1 = arith.constant 0 : i32
    return %c0_i32, %arg0, %c0_i32_0 : i32, i32, i32
  }
}

module attributes {stable_mosaic.version = 14 : i64} {
  func.func @_tc_mid_body(%arg0: i32, %arg1: memref<2x400x64xf32, #tpu.memory_space<vmem>>, %arg2: memref<2x400x64xf32, #tpu.memory_space<vmem>>, %arg3: memref<2x400x16xf32, #tpu.memory_space<vmem>>, %arg4: memref<1x128xf32, #tpu.memory_space<vmem>>, %arg5: memref<128x128xf32, #tpu.memory_space<vmem>>, %arg6: memref<2x400x64xf32, #tpu.memory_space<vmem>>) attributes {dimension_semantics = [#tpu.dimension_semantics<arbitrary>], iteration_bounds = array<i64: 25>, scalar_prefetch = 0 : i64, scratch_operands = 0 : i64, tpu.core_type = #tpu.core_type<tc>, window_params = [{transform_indices = @transform_0, window_bounds = array<i64: 2, 400, 64>}, {transform_indices = @transform_1, window_bounds = array<i64: 2, 400, 64>}, {transform_indices = @transform_2, window_bounds = array<i64: 2, 400, 16>}, {pipeline_mode = #tpu.pipeline_mode<synchronous>, transform_indices = @transform_3, window_bounds = array<i64: 1, 128>}, {pipeline_mode = #tpu.pipeline_mode<synchronous>, transform_indices = @transform_4, window_bounds = array<i64: 128, 128>}, {transform_indices = @transform_5, window_bounds = array<i64: 2, 400, 64>}]} {
    %get3A = arith.constant 0 : index
    %get3A_0 = arith.constant 0 : index
    %get3A_1 = arith.constant 0 : index
    %get3A_2 = vector.load %arg3[%get3A, %get3A_0, %get3A_1] : memref<2x400x16xf32, #tpu.memory_space<vmem>>, vector<2x400x16xf32>
    %slice3A = vector.extract_strided_slice %get3A_2 {offsets = [0, 0, 0], sizes = [1, 400, 1], strides = [1, 1, 1]} : vector<2x400x16xf32> to vector<1x400x1xf32>
    %squeeze3A = vector.shape_cast %slice3A : vector<1x400x1xf32> to vector<400xf32>
    %slice3A_3 = vector.extract_strided_slice %get3A_2 {offsets = [1, 0, 0], sizes = [1, 400, 1], strides = [1, 1, 1]} : vector<2x400x16xf32> to vector<1x400x1xf32>
    %squeeze3A_4 = vector.shape_cast %slice3A_3 : vector<1x400x1xf32> to vector<400xf32>
    %add3A = arith.addf %squeeze3A, %squeeze3A_4 : vector<400xf32>
    %add3A_5 = arith.constant 1.000000e+00 : f32
    %add3A_6 = vector.broadcast %add3A_5 : f32 to vector<400xf32>
    %add3A_7 = arith.addf %add3A, %add3A_6 : vector<400xf32>
    %rsqrt3A = math.rsqrt %add3A_7 : vector<400xf32>
    %get3A_8 = arith.constant 0 : index
    %get3A_9 = arith.constant 0 : index
    %get3A_10 = arith.constant 0 : index
    %get3A_11 = vector.load %arg1[%get3A_8, %get3A_9, %get3A_10] : memref<2x400x64xf32, #tpu.memory_space<vmem>>, vector<1x400x64xf32>
    %get3A_12 = vector.shape_cast %get3A_11 : vector<1x400x64xf32> to vector<400x64xf32>
    %get3A_13 = arith.constant 1 : index
    %get3A_14 = arith.constant 0 : index
    %get3A_15 = arith.constant 0 : index
    %get3A_16 = vector.load %arg1[%get3A_13, %get3A_14, %get3A_15] : memref<2x400x64xf32, #tpu.memory_space<vmem>>, vector<1x400x64xf32>
    %get3A_17 = vector.shape_cast %get3A_16 : vector<1x400x64xf32> to vector<400x64xf32>
    %concatenate3A = tpu.concatenate %get3A_12, %get3A_17 in 1 : vector<400x64xf32>, vector<400x64xf32> -> vector<400x128xf32>
    %get3A_18 = arith.constant 0 : index
    %get3A_19 = arith.constant 0 : index
    %get3A_20 = arith.constant 0 : index
    %get3A_21 = vector.load %arg2[%get3A_18, %get3A_19, %get3A_20] : memref<2x400x64xf32, #tpu.memory_space<vmem>>, vector<1x400x64xf32>
    %get3A_22 = vector.shape_cast %get3A_21 : vector<1x400x64xf32> to vector<400x64xf32>
    %get3A_23 = arith.constant 1 : index
    %get3A_24 = arith.constant 0 : index
    %get3A_25 = arith.constant 0 : index
    %get3A_26 = vector.load %arg2[%get3A_23, %get3A_24, %get3A_25] : memref<2x400x64xf32, #tpu.memory_space<vmem>>, vector<1x400x64xf32>
    %get3A_27 = vector.shape_cast %get3A_26 : vector<1x400x64xf32> to vector<400x64xf32>
    %concatenate3A_28 = tpu.concatenate %get3A_22, %get3A_27 in 1 : vector<400x64xf32>, vector<400x64xf32> -> vector<400x128xf32>
    %add3A_29 = arith.addf %concatenate3A, %concatenate3A_28 : vector<400x128xf32>
    %broadcast_in_dim3A = vector.shape_cast %rsqrt3A : vector<400xf32> to vector<400x1xf32>
    %mul3A = vector.broadcast %broadcast_in_dim3A : vector<400x1xf32> to vector<400x128xf32>
    %mul3A_30 = arith.mulf %add3A_29, %mul3A : vector<400x128xf32>
    %get3A_31 = arith.constant 0 : index
    %get3A_32 = arith.constant 0 : index
    %get3A_33 = vector.load %arg4[%get3A_31, %get3A_32] : memref<1x128xf32, #tpu.memory_space<vmem>>, vector<1x128xf32>
    %add3A_34 = vector.broadcast %get3A_33 : vector<1x128xf32> to vector<400x128xf32>
    %add3A_35 = arith.addf %mul3A_30, %add3A_34 : vector<400x128xf32>
    %max3A = arith.constant 0.000000e+00 : f32
    %max3A_36 = vector.broadcast %max3A : f32 to vector<400x128xf32>
    %max3A_37 = arith.maximumf %add3A_35, %max3A_36 : vector<400x128xf32>
    %get3A_38 = arith.constant 0 : index
    %get3A_39 = arith.constant 0 : index
    %get3A_40 = vector.load %arg5[%get3A_38, %get3A_39] : memref<128x128xf32, #tpu.memory_space<vmem>>, vector<128x128xf32>
    %dot_general3A = arith.constant dense<0.000000e+00> : vector<400x128xf32>
    %dot_general3A_41 = tpu.matmul %max3A_37, %get3A_40, %dot_general3A {dimension_numbers = #tpu.dot_dimension_numbers<[1], [0], [0], [1], [0, 0, 1, 1], [], []>, transpose_lhs_hint = false} : vector<400x128xf32>, vector<128x128xf32>, vector<400x128xf32> -> vector<400x128xf32>
    %broadcast_in_dim3A_42 = vector.shape_cast %rsqrt3A : vector<400xf32> to vector<400x1xf32>
    %mul3A_43 = vector.broadcast %broadcast_in_dim3A_42 : vector<400x1xf32> to vector<400x128xf32>
    %mul3A_44 = arith.mulf %dot_general3A_41, %mul3A_43 : vector<400x128xf32>
    %slice3A_45 = vector.extract_strided_slice %mul3A_44 {offsets = [0, 0], sizes = [400, 64], strides = [1, 1]} : vector<400x128xf32> to vector<400x64xf32>
    %swap3A = arith.constant 0 : index
    %swap3A_46 = arith.constant 0 : index
    %swap3A_47 = arith.constant 0 : index
    %swap3A_48 = vector.load %arg6[%swap3A, %swap3A_46, %swap3A_47] : memref<2x400x64xf32, #tpu.memory_space<vmem>>, vector<1x400x64xf32>
    %swap3A_49 = vector.shape_cast %swap3A_48 : vector<1x400x64xf32> to vector<400x64xf32>
    %swap3A_50 = vector.shape_cast %slice3A_45 : vector<400x64xf32> to vector<1x400x64xf32>
    tpu.vector_store %arg6[%swap3A, %swap3A_46, %swap3A_47], %swap3A_50 {strides = array<i32>} : memref<2x400x64xf32, #tpu.memory_space<vmem>>, vector<1x400x64xf32>,
    %slice3A_51 = vector.extract_strided_slice %mul3A_44 {offsets = [0, 64], sizes = [400, 64], strides = [1, 1]} : vector<400x128xf32> to vector<400x64xf32>
    %swap3A_52 = arith.constant 1 : index
    %swap3A_53 = arith.constant 0 : index
    %swap3A_54 = arith.constant 0 : index
    %swap3A_55 = vector.load %arg6[%swap3A_52, %swap3A_53, %swap3A_54] : memref<2x400x64xf32, #tpu.memory_space<vmem>>, vector<1x400x64xf32>
    %swap3A_56 = vector.shape_cast %swap3A_55 : vector<1x400x64xf32> to vector<400x64xf32>
    %swap3A_57 = vector.shape_cast %slice3A_51 : vector<400x64xf32> to vector<1x400x64xf32>
    tpu.vector_store %arg6[%swap3A_52, %swap3A_53, %swap3A_54], %swap3A_57 {strides = array<i32>} : memref<2x400x64xf32, #tpu.memory_space<vmem>>, vector<1x400x64xf32>,
    return
  }
  func.func @transform_0(%arg0: i32) -> (i32, i32, i32) {
    %c0_i32 = arith.constant 0 : i32
    %c0_i32_0 = arith.constant 0 : i32
    %c0_i32_1 = arith.constant 0 : i32
    return %c0_i32, %arg0, %c0_i32_0 : i32, i32, i32
  }
  func.func @transform_1(%arg0: i32) -> (i32, i32, i32) {
    %c0_i32 = arith.constant 0 : i32
    %c0_i32_0 = arith.constant 0 : i32
    %c0_i32_1 = arith.constant 0 : i32
    return %c0_i32, %arg0, %c0_i32_0 : i32, i32, i32
  }
  func.func @transform_2(%arg0: i32) -> (i32, i32, i32) {
    %c0_i32 = arith.constant 0 : i32
    %c0_i32_0 = arith.constant 0 : i32
    %c0_i32_1 = arith.constant 0 : i32
    return %c0_i32, %arg0, %c0_i32_0 : i32, i32, i32
  }
  func.func @transform_3(%arg0: i32) -> (i32, i32) {
    %c0_i32 = arith.constant 0 : i32
    %c0_i32_0 = arith.constant 0 : i32
    %c0_i32_1 = arith.constant 0 : i32
    return %c0_i32, %c0_i32_0 : i32, i32
  }
  func.func @transform_4(%arg0: i32) -> (i32, i32) {
    %c0_i32 = arith.constant 0 : i32
    %c0_i32_0 = arith.constant 0 : i32
    %c0_i32_1 = arith.constant 0 : i32
    return %c0_i32, %c0_i32_0 : i32, i32
  }
  func.func @transform_5(%arg0: i32) -> (i32, i32, i32) {
    %c0_i32 = arith.constant 0 : i32
    %c0_i32_0 = arith.constant 0 : i32
    %c0_i32_1 = arith.constant 0 : i32
    return %c0_i32, %arg0, %c0_i32_0 : i32, i32, i32
  }
}

module attributes {stable_mosaic.version = 14 : i64} {
  func.func @_tc_pool_body(%arg0: i32, %arg1: memref<2x400x64xf32, #tpu.memory_space<vmem>>, %arg2: memref<2x400x64xf32, #tpu.memory_space<vmem>>, %arg3: memref<2x400x16xf32, #tpu.memory_space<vmem>>, %arg4: memref<1x128xf32, #tpu.memory_space<vmem>>, %arg5: memref<1x1x400xi32, #tpu.memory_space<vmem>>, %arg6: memref<64x128xf32, #tpu.memory_space<vmem>>, %arg7: memref<64x128xf32, #tpu.memory_space<vmem>>, %arg8: memref<64x128xf32, #tpu.memory_space<vmem>>) attributes {dimension_semantics = [#tpu.dimension_semantics<arbitrary>], iteration_bounds = array<i64: 25>, scalar_prefetch = 0 : i64, scratch_operands = 2 : i64, tpu.core_type = #tpu.core_type<tc>, window_params = [{transform_indices = @transform_0, window_bounds = array<i64: 2, 400, 64>}, {transform_indices = @transform_1, window_bounds = array<i64: 2, 400, 64>}, {transform_indices = @transform_2, window_bounds = array<i64: 2, 400, 16>}, {pipeline_mode = #tpu.pipeline_mode<synchronous>, transform_indices = @transform_3, window_bounds = array<i64: 1, 128>}, {transform_indices = @transform_4, window_bounds = array<i64: 1, 1, 400>}, {pipeline_mode = #tpu.pipeline_mode<synchronous>, transform_indices = @transform_5, window_bounds = array<i64: 64, 128>}]} {
    %eq3A = arith.constant 0 : i32
    %eq3A_0 = arith.cmpi eq, %arg0, %eq3A : i32
    %convert_element_type3A = arith.extui %eq3A_0 : i1 to i32
    %cond3A = arith.constant 0 : i32
    %cond3A_1 = arith.cmpi ne, %convert_element_type3A, %cond3A : i32
    scf.if %cond3A_1 {
      %broadcast_in_dim3A_71 = arith.constant 0.000000e+00 : f32
      %broadcast_in_dim3A_72 = vector.broadcast %broadcast_in_dim3A_71 : f32 to vector<64x128xf32>
      %swap3A_73 = arith.constant 0 : index
      %swap3A_74 = arith.constant 0 : index
      %swap3A_75 = vector.load %arg7[%swap3A_73, %swap3A_74] : memref<64x128xf32, #tpu.memory_space<vmem>>, vector<64x128xf32>
      tpu.vector_store %arg7[%swap3A_73, %swap3A_74], %broadcast_in_dim3A_72 {strides = array<i32>} : memref<64x128xf32, #tpu.memory_space<vmem>>, vector<64x128xf32>,
      %broadcast_in_dim3A_76 = arith.constant 0.000000e+00 : f32
      %broadcast_in_dim3A_77 = vector.broadcast %broadcast_in_dim3A_76 : f32 to vector<64x128xf32>
      %swap3A_78 = arith.constant 0 : index
      %swap3A_79 = arith.constant 0 : index
      %swap3A_80 = vector.load %arg8[%swap3A_78, %swap3A_79] : memref<64x128xf32, #tpu.memory_space<vmem>>, vector<64x128xf32>
      tpu.vector_store %arg8[%swap3A_78, %swap3A_79], %broadcast_in_dim3A_77 {strides = array<i32>} : memref<64x128xf32, #tpu.memory_space<vmem>>, vector<64x128xf32>,
    } else {
    }
    %get3A = arith.constant 0 : index
    %get3A_2 = arith.constant 0 : index
    %get3A_3 = arith.constant 0 : index
    %get3A_4 = vector.load %arg3[%get3A, %get3A_2, %get3A_3] : memref<2x400x16xf32, #tpu.memory_space<vmem>>, vector<2x400x16xf32>
    %slice3A = vector.extract_strided_slice %get3A_4 {offsets = [0, 0, 0], sizes = [1, 400, 1], strides = [1, 1, 1]} : vector<2x400x16xf32> to vector<1x400x1xf32>
    %squeeze3A = vector.shape_cast %slice3A : vector<1x400x1xf32> to vector<400xf32>
    %slice3A_5 = vector.extract_strided_slice %get3A_4 {offsets = [1, 0, 0], sizes = [1, 400, 1], strides = [1, 1, 1]} : vector<2x400x16xf32> to vector<1x400x1xf32>
    %squeeze3A_6 = vector.shape_cast %slice3A_5 : vector<1x400x1xf32> to vector<400xf32>
    %add3A = arith.addf %squeeze3A, %squeeze3A_6 : vector<400xf32>
    %add3A_7 = arith.constant 1.000000e+00 : f32
    %add3A_8 = vector.broadcast %add3A_7 : f32 to vector<400xf32>
    %add3A_9 = arith.addf %add3A, %add3A_8 : vector<400xf32>
    %rsqrt3A = math.rsqrt %add3A_9 : vector<400xf32>
    %get3A_10 = arith.constant 0 : index
    %get3A_11 = arith.constant 0 : index
    %get3A_12 = arith.constant 0 : index
    %get3A_13 = vector.load %arg1[%get3A_10, %get3A_11, %get3A_12] : memref<2x400x64xf32, #tpu.memory_space<vmem>>, vector<1x400x64xf32>
    %get3A_14 = vector.shape_cast %get3A_13 : vector<1x400x64xf32> to vector<400x64xf32>
    %get3A_15 = arith.constant 1 : index
    %get3A_16 = arith.constant 0 : index
    %get3A_17 = arith.constant 0 : index
    %get3A_18 = vector.load %arg1[%get3A_15, %get3A_16, %get3A_17] : memref<2x400x64xf32, #tpu.memory_space<vmem>>, vector<1x400x64xf32>
    %get3A_19 = vector.shape_cast %get3A_18 : vector<1x400x64xf32> to vector<400x64xf32>
    %concatenate3A = tpu.concatenate %get3A_14, %get3A_19 in 1 : vector<400x64xf32>, vector<400x64xf32> -> vector<400x128xf32>
    %get3A_20 = arith.constant 0 : index
    %get3A_21 = arith.constant 0 : index
    %get3A_22 = arith.constant 0 : index
    %get3A_23 = vector.load %arg2[%get3A_20, %get3A_21, %get3A_22] : memref<2x400x64xf32, #tpu.memory_space<vmem>>, vector<1x400x64xf32>
    %get3A_24 = vector.shape_cast %get3A_23 : vector<1x400x64xf32> to vector<400x64xf32>
    %get3A_25 = arith.constant 1 : index
    %get3A_26 = arith.constant 0 : index
    %get3A_27 = arith.constant 0 : index
    %get3A_28 = vector.load %arg2[%get3A_25, %get3A_26, %get3A_27] : memref<2x400x64xf32, #tpu.memory_space<vmem>>, vector<1x400x64xf32>
    %get3A_29 = vector.shape_cast %get3A_28 : vector<1x400x64xf32> to vector<400x64xf32>
    %concatenate3A_30 = tpu.concatenate %get3A_24, %get3A_29 in 1 : vector<400x64xf32>, vector<400x64xf32> -> vector<400x128xf32>
    %add3A_31 = arith.addf %concatenate3A, %concatenate3A_30 : vector<400x128xf32>
    %broadcast_in_dim3A = vector.shape_cast %rsqrt3A : vector<400xf32> to vector<400x1xf32>
    %mul3A = vector.broadcast %broadcast_in_dim3A : vector<400x1xf32> to vector<400x128xf32>
    %mul3A_32 = arith.mulf %add3A_31, %mul3A : vector<400x128xf32>
    %get3A_33 = arith.constant 0 : index
    %get3A_34 = arith.constant 0 : index
    %get3A_35 = vector.load %arg4[%get3A_33, %get3A_34] : memref<1x128xf32, #tpu.memory_space<vmem>>, vector<1x128xf32>
    %add3A_36 = vector.broadcast %get3A_35 : vector<1x128xf32> to vector<400x128xf32>
    %add3A_37 = arith.addf %mul3A_32, %add3A_36 : vector<400x128xf32>
    %get3A_38 = arith.constant 0 : index
    %get3A_39 = arith.constant 0 : index
    %get3A_40 = arith.constant 0 : index
    %get3A_41 = vector.load %arg5[%get3A_38, %get3A_39, %get3A_40] : memref<1x1x400xi32, #tpu.memory_space<vmem>>, vector<1x1x400xi32>
    %get3A_42 = vector.shape_cast %get3A_41 : vector<1x1x400xi32> to vector<400xi32>
    %iota3A = tpu.iota {dimensions = array<i32: 1>} : vector<400x64xi32>
    %broadcast_in_dim3A_43 = vector.shape_cast %get3A_42 : vector<400xi32> to vector<400x1xi32>
    %eq3A_44 = vector.broadcast %broadcast_in_dim3A_43 : vector<400x1xi32> to vector<400x64xi32>
    %eq3A_45 = arith.cmpi eq, %eq3A_44, %iota3A : vector<400x64xi32>
    %convert_element_type3A_46 = arith.extui %eq3A_45 : vector<400x64xi1> to vector<400x64xi32>
    %convert_element_type3A_47 = arith.sitofp %convert_element_type3A_46 : vector<400x64xi32> to vector<400x64xf32>
    %get3A_48 = arith.constant 0 : index
    %get3A_49 = arith.constant 0 : index
    %get3A_50 = vector.load %arg7[%get3A_48, %get3A_49] : memref<64x128xf32, #tpu.memory_space<vmem>>, vector<64x128xf32>
    %dot_general3A = arith.constant dense<0.000000e+00> : vector<64x128xf32>
    %dot_general3A_51 = tpu.matmul %convert_element_type3A_47, %add3A_37, %dot_general3A {dimension_numbers = #tpu.dot_dimension_numbers<[0], [0], [1], [1], [0, 1, 1, 1], [], []>, transpose_lhs_hint = false} : vector<400x64xf32>, vector<400x128xf32>, vector<64x128xf32> -> vector<64x128xf32>
    %add3A_52 = arith.addf %get3A_50, %dot_general3A_51 : vector<64x128xf32>
    %swap3A = arith.constant 0 : index
    %swap3A_53 = arith.constant 0 : index
    %swap3A_54 = vector.load %arg7[%swap3A, %swap3A_53] : memref<64x128xf32, #tpu.memory_space<vmem>>, vector<64x128xf32>
    tpu.vector_store %arg7[%swap3A, %swap3A_53], %add3A_52 {strides = array<i32>} : memref<64x128xf32, #tpu.memory_space<vmem>>, vector<64x128xf32>,
    %get3A_55 = arith.constant 0 : index
    %get3A_56 = arith.constant 0 : index
    %get3A_57 = vector.load %arg8[%get3A_55, %get3A_56] : memref<64x128xf32, #tpu.memory_space<vmem>>, vector<64x128xf32>
    %broadcast_in_dim3A_58 = arith.constant 1.000000e+00 : f32
    %broadcast_in_dim3A_59 = vector.broadcast %broadcast_in_dim3A_58 : f32 to vector<400x128xf32>
    %dot_general3A_60 = arith.constant dense<0.000000e+00> : vector<64x128xf32>
    %dot_general3A_61 = tpu.matmul %convert_element_type3A_47, %broadcast_in_dim3A_59, %dot_general3A_60 {dimension_numbers = #tpu.dot_dimension_numbers<[0], [0], [1], [1], [0, 1, 1, 1], [], []>, transpose_lhs_hint = false} : vector<400x64xf32>, vector<400x128xf32>, vector<64x128xf32> -> vector<64x128xf32>
    %add3A_62 = arith.addf %get3A_57, %dot_general3A_61 : vector<64x128xf32>
    %swap3A_63 = arith.constant 0 : index
    %swap3A_64 = arith.constant 0 : index
    %swap3A_65 = vector.load %arg8[%swap3A_63, %swap3A_64] : memref<64x128xf32, #tpu.memory_space<vmem>>, vector<64x128xf32>
    tpu.vector_store %arg8[%swap3A_63, %swap3A_64], %add3A_62 {strides = array<i32>} : memref<64x128xf32, #tpu.memory_space<vmem>>, vector<64x128xf32>,
    %eq3A_66 = arith.constant 24 : i32
    %eq3A_67 = arith.cmpi eq, %arg0, %eq3A_66 : i32
    %convert_element_type3A_68 = arith.extui %eq3A_67 : i1 to i32
    %cond3A_69 = arith.constant 0 : i32
    %cond3A_70 = arith.cmpi ne, %convert_element_type3A_68, %cond3A_69 : i32
    scf.if %cond3A_70 {
      %get3A_71 = arith.constant 0 : index
      %get3A_72 = arith.constant 0 : index
      %get3A_73 = vector.load %arg7[%get3A_71, %get3A_72] : memref<64x128xf32, #tpu.memory_space<vmem>>, vector<64x128xf32>
      %get3A_74 = arith.constant 0 : index
      %get3A_75 = arith.constant 0 : index
      %get3A_76 = vector.load %arg8[%get3A_74, %get3A_75] : memref<64x128xf32, #tpu.memory_space<vmem>>, vector<64x128xf32>
      %max3A = arith.constant 1.000000e+00 : f32
      %max3A_77 = vector.broadcast %max3A : f32 to vector<64x128xf32>
      %max3A_78 = arith.maximumf %get3A_76, %max3A_77 : vector<64x128xf32>
      %div3A = arith.divf %get3A_73, %max3A_78 : vector<64x128xf32>
      %swap3A_79 = arith.constant 0 : index
      %swap3A_80 = arith.constant 0 : index
      %swap3A_81 = vector.load %arg6[%swap3A_79, %swap3A_80] : memref<64x128xf32, #tpu.memory_space<vmem>>, vector<64x128xf32>
      tpu.vector_store %arg6[%swap3A_79, %swap3A_80], %div3A {strides = array<i32>} : memref<64x128xf32, #tpu.memory_space<vmem>>, vector<64x128xf32>,
    } else {
    }
    return
  }
  func.func @transform_0(%arg0: i32) -> (i32, i32, i32) {
    %c0_i32 = arith.constant 0 : i32
    %c0_i32_0 = arith.constant 0 : i32
    %c0_i32_1 = arith.constant 0 : i32
    return %c0_i32, %arg0, %c0_i32_0 : i32, i32, i32
  }
  func.func @transform_1(%arg0: i32) -> (i32, i32, i32) {
    %c0_i32 = arith.constant 0 : i32
    %c0_i32_0 = arith.constant 0 : i32
    %c0_i32_1 = arith.constant 0 : i32
    return %c0_i32, %arg0, %c0_i32_0 : i32, i32, i32
  }
  func.func @transform_2(%arg0: i32) -> (i32, i32, i32) {
    %c0_i32 = arith.constant 0 : i32
    %c0_i32_0 = arith.constant 0 : i32
    %c0_i32_1 = arith.constant 0 : i32
    return %c0_i32, %arg0, %c0_i32_0 : i32, i32, i32
  }
  func.func @transform_3(%arg0: i32) -> (i32, i32) {
    %c0_i32 = arith.constant 0 : i32
    %c0_i32_0 = arith.constant 0 : i32
    %c0_i32_1 = arith.constant 0 : i32
    return %c0_i32, %c0_i32_0 : i32, i32
  }
  func.func @transform_4(%arg0: i32) -> (i32, i32, i32) {
    %c0_i32 = arith.constant 0 : i32
    %c0_i32_0 = arith.constant 0 : i32
    %c0_i32_1 = arith.constant 0 : i32
    return %arg0, %c0_i32, %c0_i32_0 : i32, i32, i32
  }
  func.func @transform_5(%arg0: i32) -> (i32, i32) {
    %c0_i32 = arith.constant 0 : i32
    %c0_i32_0 = arith.constant 0 : i32
    %c0_i32_1 = arith.constant 0 : i32
    return %c0_i32, %c0_i32_0 : i32, i32
  }
}

</mosaic_0001>

<sc_bundles>
// kernel: kernel.11.cloned.1.call-start
scs
__scs_entry_jumppad:
0x0: {  	(pc) =	sbr.rel $0x88, $3  }
0x1: {  	(tag) =	ssettag $0x0;
	lr =	simm.s32 $0x1  }
0x2: {  	[smem:$0x3F9A] =	sst lr;
	_ =	strace $0xD0000000  }
0x3: {  	_ = 	snop  }
0x4: {  	_ = 	snop  }
0x5: {  	_ = 	snop  }
0x6: {  	_ = 	snop  }
0x7: {  	_ = 	snop  }
__scs_overlays_trampoline_lowered:
0x8: {  	[smem:$0x3FA9] =	sst s0  }
0x9: {  	[smem:$0x3FAA] =	sst s1  }
0xa: {  	[smem:$0x3FAB] =	sst s2  }
0xb: {  	[smem:$0x3FAC] =	sst s3  }
0xc: {  	[smem:$0x3FAD] =	sst s4  }
0xd: {  	[smem:$0x3FAE] =	sst s5  }
0xe: {  	[smem:$0x3FAF] =	sst s6  }
0xf: {  	[smem:$0x3FB0] =	sst s7  }
0x10: {  	[smem:$0x3FB1] =	sst s8  }
0x11: {  	[smem:$0x3FB2] =	sst s9;
	s0 =	simm.s32 @!p0 $0x0  }
0x12: {  	s1 =	sld [smem:$0x3F98];
	s0 =	simm.s32 @p0 $0x1  }
0x13: {  	[smem:$0x3FB3] =	sst s0;
	s0 =	simm.s32 @!p1 $0x0  }
0x14: {  	s2 =	sld [smem:$0x3F97];
	s0 =	simm.s32 @p1 $0x1  }
0x15: {  	[smem:$0x3FB4] =	sst s0;
	s0 =	simm.s32 @!p2 $0x0  }
0x16: {  	s3 =	sld [smem:$0x3FDB];
	s0 =	simm.s32 @p2 $0x1  }
0x17: {  	s4 =	simm.s32 $0x1BF5;
	[smem:$0x3FB6] =	sst s0  }
0x18: {  	s0 =	sld [smem:$0x3F99];
	_ =	swait.ge [sflag:s4], $0x0  }
0x19: {  	s7 =	sld [smem:$0x3F9A]  }
0x1a: {  	s8 =	sadd.s32 $0xFFFFE003, lr  }
0x1b: {  	s9 =	sadd.s32 $0xFFFFFEF7, lr;
	s5 =	simm.s32 $0xFFFFFFFF;
	p2 =	slt.u32 s8, $0xFFFFF086  }
0x1c: {  	p1 =	slt.u32 s9, $0xF7A;
	s5 =	simm.s32 @!p2 $0x0  }
0x1d: {  	s5 =	simm.s32 @p1 $0x1;
	p0 =	seq.s32 s7, s2  }
0x1e: {  	s7 =	smul.u32 @!p0 $0xF7A, s2;
	p2 =	seq.s32 @!p0 s5, $0x0  }
0x1f: {  	s9 =	smul.u32 $0xF7A, s1;
	s8 =	simm.s32 @!p0 $0x1BF5;
	p2 =	por !p2, p0  }
0x20: {  	[sflag:s8] =	ssyncset.s32 @!p0 $0xFFFFF086;
	s6 =	sadd.s32 @!p0 s3, s7;
	s7 =	simm.s32 @!p0 $0x108  }
0x21: {  	s3 =	sadd.s32 s3, s9;
	s6 =	sadd.s32 @!p0 $0x88, s6;
	s7 =	simm.s32 @p2 $0x1082  }
0x22: {  	[simem:s7], [sflag:s8] =	dma.local @!p0 [hbm:s6], $0xF7A  }
0x23: {  	s9 =	sor.u32 $0xD0000000, s2;
	s6 =	simm.s32 $0x108;
	_ =	swait.ge @!p0 [sflag:s8], $0x0  }
0x24: {  	s3 =	sadd.s32 $0x88, s3;
	s6 =	simm.s32 @!p1 $0x1082;
	[sflag:s4] =	ssyncset.s32 $0xFFFFF086  }
0x25: {  	[simem:s6], [sflag:s4] =	dma.local [hbm:s3], $0xF7A  }
0x26: {  	[smem:$0x3F9A] =	sst s1;
	(tag) =	ssettag s2;
	_ =	strace s9  }
0x27: {  	s1 =	sld [smem:$0x3FAA]  }
0x28: {  	s2 =	sld [smem:$0x3FAB]  }
0x29: {  	s4 =	sld [smem:$0x3FAD]  }
0x2a: {  	p0 =	seq.s32 s5, $0x0;
	s5 =	sld [smem:$0x3FAE]  }
0x2b: {  	s6 =	sld [smem:$0x3FAF]  }
0x2c: {  	s7 =	sld [smem:$0x3FB0]  }
0x2d: {  	s3 =	simm.s32 $0x108;
	s8 =	sld [smem:$0x3FB1]  }
0x2e: {  	s3 =	simm.s32 @!p0 $0x1082;
	s9 =	sld [smem:$0x3FB2]  }
0x2f: {  	lr =	sadd.s32 s0, s3;
	s0 =	sld [smem:$0x3FA9]  }
0x30: {  	s3 =	sld [smem:$0x3FAC]  }
0x31: {  	[smem:$0x3FB5] =	sst s10  }
0x32: {  	s10 =	sld [smem:$0x3FB3];
	_ =	sdelay $0x3  }
0x33: {  	p0 =	seq.s32 s10, $0x1;
	s10 =	sld [smem:$0x3FB5];
	_ =	sdelay $0x3  }
0x34: {  	[smem:$0x3FB5] =	sst s10  }
0x35: {  	s10 =	sld [smem:$0x3FB4];
	_ =	sdelay $0x3  }
0x36: {  	p1 =	seq.s32 s10, $0x1;
	s10 =	sld [smem:$0x3FB5];
	_ =	sdelay $0x3  }
0x37: {  	[smem:$0x3FB5] =	sst s10  }
0x38: {  	s10 =	sld [smem:$0x3FB6]  }
0x39: {  	_ = 	snop;
	(pc) =	sbr.ind lr, $3  }
0x3a: {  	_ = 	snop  }
0x3b: {  	_ = 	snop  }
0x3c: {  	p2 =	seq.s32 s10, $0x1;
	s10 =	sld [smem:$0x3FB5]  }
0x3d: {  	_ =	shalt  }
0x3e: {  	_ =	shalt  }
0x3f: {  	_ =	shalt  }
0x40: {  	_ =	shalt  }
0x41: {  	_ =	shalt  }
0x42: {  	_ =	shalt  }
0x43: {  	_ =	shalt  }
0x44: {  	_ =	shalt  }
0x45: {  	_ =	shalt  }
0x46: {  	_ =	shalt  }
0x47: {  	_ =	shalt  }
0x48: {  	_ =	shalt  }
0x49: {  	_ =	shalt  }
0x4a: {  	_ =	shalt  }
0x4b: {  	_ =	shalt  }
0x4c: {  	_ =	shalt  }
0x4d: {  	_ =	shalt  }
0x4e: {  	_ =	shalt  }
0x4f: {  	_ =	shalt  }
0x50: {  	_ =	shalt  }
0x51: {  	_ =	shalt  }
0x52: {  	_ =	shalt  }
0x53: {  	_ =	shalt  }
0x54: {  	_ =	shalt  }
0x55: {  	_ =	shalt  }
0x56: {  	_ =	shalt  }
0x57: {  	_ =	shalt  }
0x58: {  	_ =	shalt  }
0x59: {  	_ =	shalt  }
0x5a: {  	_ =	shalt  }
0x5b: {  	_ =	shalt  }
0x5c: {  	_ =	shalt  }
0x5d: {  	_ =	shalt  }
0x5e: {  	_ =	shalt  }
0x5f: {  	_ =	shalt  }
0x60: {  	_ =	shalt  }
0x61: {  	_ =	shalt  }
0x62: {  	_ =	shalt  }
0x63: {  	_ =	shalt  }
0x64: {  	_ =	shalt  }
0x65: {  	_ =	shalt  }
0x66: {  	_ =	shalt  }
0x67: {  	_ =	shalt  }
0x68: {  	_ =	shalt  }
0x69: {  	_ =	shalt  }
0x6a: {  	_ =	shalt  }
0x6b: {  	_ =	shalt  }
0x6c: {  	_ =	shalt  }
0x6d: {  	_ =	shalt  }
0x6e: {  	_ =	shalt  }
0x6f: {  	_ =	shalt  }
0x70: {  	_ =	shalt  }
0x71: {  	_ =	shalt  }
0x72: {  	_ =	shalt  }
0x73: {  	_ =	shalt  }
0x74: {  	_ =	shalt  }
0x75: {  	_ =	shalt  }
0x76: {  	_ =	shalt  }
0x77: {  	_ =	shalt  }
0x78: {  	_ =	shalt  }
0x79: {  	_ =	shalt  }
0x7a: {  	_ =	shalt  }
0x7b: {  	_ =	shalt  }
0x7c: {  	_ =	shalt  }
0x7d: {  	_ =	shalt  }
0x7e: {  	_ =	shalt  }
0x7f: {  	_ =	shalt  }
0x80: {  	_ =	shalt  }
0x81: {  	_ =	shalt  }
0x82: {  	_ =	shalt  }
0x83: {  	_ =	shalt  }
0x84: {  	_ =	shalt  }
0x85: {  	_ =	shalt  }
0x86: {  	_ =	shalt  }
0x87: {  	_ =	shalt  }
.Lfunc_end0:
.L_simem_size_0:
called_computation.1_lowered:
.L_overlay_start_0:
0x88: {  	s2 =	sld [smem:$0x3FD9]  }
0x89: {  	s3 =	sld [smem:$0x3FFE];
	_ =	sdelay $0x1  }
0x8a: {  	s1 =	srdreg.scid  }
0x8b: {  	s0 =	sand.u32 $0x1, s1  }
0x8c: {  	s16 =	sshll.u32 s0, $0xA;
	s2 =	sadd.s32 s3, s2  }
0x8d: {  	s2 =	sadd.s32 s2, s16  }
0x8e: {  	[smem:$0x3FC1] =	sst s2  }
0x8f: {  	_ = 	snop  }
0x90: {  	(tm) =	ssettm $0x1  }
0x91: {  	s17 =	sld [smem:$0x3FFB];
	_ =	sdelay $0x3  }
0x92: {  	_ =	strace s17  }
0x93: {  	s2 =	sld [smem:$0x3FFC];
	_ =	sdelay $0x3  }
0x94: {  	_ =	strace s2  }
0x95: {  	s2 =	sld [smem:$0x3FFD];
	_ =	sdelay $0x3  }
0x96: {  	_ =	strace s2  }
0x97: {  	_ =	strace $0x8FFFFFFF  }
0x98: {  	s18 =	sld [smem:$0x3FDB];
	_ =	sdelay $0x1  }
0x99: {  	s19 =	simm.s32 $_scs_section_size  }
0x9a: {  	s4 =	simm.s32 $_size__tile_overlayer_lowered;
	s5 =	simm.s32 $_tile_overlayer_lowered  }
0x9b: {  	s22 =	simm.s32 $0x1BFF;
	s21 =	sshll.u32 s5, $0x1;
	s2 =	sadd.s32 s19, s18  }
0x9c: {  	s6 =	simm.s32 $0x0;
	s20 =	sshll.u32 s4, $0x1;
	s4 =	sadd.s32 s21, s2  }
0x9d: {  	[timem:s6], [sflag:s22] =	dma.local [hbm:s4], s20  }
0x9e: {  	_ =	swait.ge [sflag:s22], s20  }
0x9f: {  	s3 =	ssub.s32 $0x0, s20;
	[sflag:s22] =	ssyncset.done $0x0  }
0xa0: {  	[sflag:s22] =	ssyncadd.s32 s3;
	_ =	sdelay $0x1  }
0xa1: {  	s23 =	simm.s32 $0x1B8B  }
0xa2: {  	_ =	swait.ge [sflag:s23], $0x1  }
0xa3: {  	[sflag:s23] =	ssyncset.done $0x0  }
0xa4: {  	s25 =	simm.s32 $0x1B8E;
	s24 =	sld [smem:$0x3FFE];
	[sflag:s23] =	ssyncadd.s32 $0xFFFFFFFF  }
0xa5: {  	s26 =	simm.s32 $execute0_lowered;
	[smem:$0x3FD2] =	sst s25  }
0xa6: {  	s4 =	sshll.u32 s26, $0x1;
	_ =	strace $0x80000049;
	[dreg:$0x1] =	wrdreg $0xFFFFFFFF  }
0xa7: {  	s28 =	simm.s32 $_size_execute0_lowered;
	s2 =	sadd.s32 s2, s4;
	[dreg:$0x0] =	wrdreg $0x0  }
0xa8: {  	s4 =	sshll.u32 s28, $0x1;
	[dreg:$0x2] =	wrdreg s2  }
0xa9: {  	[dreg:$0x3] =	wrdreg s4  }
0xaa: {  	[dreg:$0x4] =	wrdreg $0xC0  }
0xab: {  	_ =	task [dreg:s6], $0x5FFFF  }
0xac: {  	[dreg:$0x1] =	wrdreg $0xFFFFFFFF  }
0xad: {  	[dreg:$0x0] =	wrdreg $0x60  }
0xae: {  	[dreg:$0x2] =	wrdreg s24  }
0xaf: {  	[dreg:$0x3] =	wrdreg $0x112800  }
0xb0: {  	[dreg:$0x4] =	wrdreg $0x9  }
0xb1: {  	_ =	task.clear_ibuf [dreg:s6], $0x5FFFF;
	_ =	strace $0x90000049  }
0xb2: {  	s29 =	simm.s32 $0x9;
	_ =	strace $0x8000004B  }
0xb3: {  	_ =	swait.ge [sflag:s29], $0x1  }
0xb4: {  	[sflag:s29] =	ssyncadd.s32 $0xFFFFFFFF  }
0xb5: {  	_ =	strace $0x9000004B  }
0xb6: {  	_ =	sfence  }
0xb7: {  	s30 =	sld [smem:$0x0];
	_ =	sdelay $0x2  }
0xb8: {  	s31 =	sshll.u32 s1, $0xD;
	s1 =	sshrl.u32 s1, $0x2  }
0xb9: {  	s3 =	sand.u32 $0x4000, s31;
	s1 =	sadd.s32 s1, s30  }
0xba: {  	s0 =	sor.u32 s3, s0;
	s1 =	sshll.u32 s1, $0x11  }
0xbb: {  	s0 =	sor.u32 s1, s0  }
0xbc: {  	s0 =	sadd.s32 $0x8F2B, s0  }
0xbd: {  	[sflag:s0] =	ssyncadd.remote.s32 $0x1  }
0xbe: {  	_ =	sfence.sel $0xFFFF  }
0xbf: {  	[dreg:$0x0] =	wrdreg $0xFFFFFFFF;
	(pc) =	sbr.abs _section_cstart, $3  }
0xc0: {  	[dreg:$0x1] =	wrdreg $0xFFFFFFFF  }
0xc1: {  	_ =	task.clear_ibuf [dreg:s6], $0x2FFFF;
	_ =	strace $0x9FFFFFFF  }
0xc2: {  	(tm) =	ssettm $0x7FFFFFFF  }
0xc3: {  	_ =	shalt  }
tec
execute0_lowered:
.L_overlay_start_1:
0x0: {  	(tag) =	ssettag $0x1  }
0x1: {  	s4 =	rddreg [dreg:$0x0]  }
0x2: {  	s1 =	rddreg [dreg:$0x1]  }
0x3: {  	s2 =	srdreg.scid;
	s0 =	rddreg [dreg:$0x2]  }
0x4: {  	s3 =	stileid.u32;
	s16 =	simm.s32 $0x7D;
	s17 =	simm.s32 $0xA000  }
0x5: {  	s18 =	simm.s32 $0x2;
	s19 =	simm.s32 $0x9F80;
	s6 =	smul.u32 $0xA00, s3  }
0x6: {  	s20 =	simm.s32 $0xBF40;
	s5 =	sand.u32 $0x1, s2;
	s7 =	smul.u32 $0x27000, s3  }
0x7: {  	s2 =	simm.s32 $0x0;
	s13 =	smul.u32 $0x9C00, s3;
	s14 =	sadd.s32 $0xECC00, s4  }
0x8: {  	p0 =	sne.s32 s3, $0x0;
	s9 =	smul.u32 $0x9C400, s5;
	[smem:$0x7FF] =	sst s2  }
0x9: {  	s5 =	ssub.s32 $0x2, s5;
	_ =	strace $0x8000004A;
	s12 =	sadd.s32 s6, s4  }
0xa: {  	s28 =	sshrl.u32 s5, $0x1;
	s7 =	sshrl.u32 s7, $0x2;
	s10 =	sshrl.u32 s9, $0x3  }
0xb: {  	s15 =	ssub.s32 s5, s28;
	s29 =	sadd.s32 s7, s1;
	s7 =	sadd.s32 $0x9C000, s1  }
0xc: {  	s8 =	sadd.s32 $0x1F600, s12;
	s11 =	sadd.s32 s10, s4;
	s4 =	sadd.s32 s13, s1  }
0xd: {  	s5 =	sadd.s32 $0x3400, s29;
	s6 =	sadd.s32 $0x6800, s29;
	s13 =	sadd.s32 s13, s9  }
0xe: {  	s9 =	sadd.s32 $0x15600, s12;
	s31 =	sadd.s32 s14, s10;
	s30 =	sshrl.u32 s13, $0x3  }
0xf: {  	s10 =	sadd.s32 $0xC5A00, s11;
	s12 =	sadd.s32 $0x13800, s31;
	s13 =	smax.u32 s15, $0x1  }
0x10: {  	v0 =	vimm.f32 $0.0e+00;
	s15 =	simm.s32 $0x3;
	s11 =	sadd.s32 s14, s30;
	s14 =	simm.s32 $0xDE80  }
.LBB2_1:
0x11: {  	s22 =	simm.s32 $0x100;
	s21 =	simm.s32 $0x0  }
.LBB2_2:
0x12: {  	p1 =	sne.s32 s22, $0xCF00;
	[tilespmem:s21+$0xDEB0] =	vst v0;
	s23 =	smov.u32 s22;
	s22 =	sadd.s32 $0x100, s22  }
.Ltmp0:
0x13: {  	[tilespmem:s21+$0xDEA0] =	vst v0;
	(pc) =	sbr.rel @p1 .LBB2_2-.Ltmp0, $3  }
0x14: {  	[tilespmem:s21+$0xDE80] =	vst v0  }
0x15: {  	[tilespmem:s21+$0xDE90] =	vst v0;
	_ =	sdelay $0x1  }
0x16: {  	s21 =	sshra.s32 s23, $0x2  }
0x17: {  	[tilespmem:s21+$0xDEB0] =	vst v0  }
0x18: {  	[tilespmem:s21+$0xDEA0] =	vst v0  }
0x19: {  	[tilespmem:s21+$0xDE80] =	vst v0  }
0x1a: {  	[tilespmem:s21+$0xDE90] =	vst v0  }
0x1b: {  	[spmem:s4] =	stream.linear.scatter [tilespmem:s14], [sflag:$0x3], $0x3400, $0x38;
	[tilespmem:$0x1AEC0] =	vst v63  }
0x1c: {  	_ =	swait.ge [sflag:s15], $0x3400  }
0x1d: {  	[sflag:s15] =	ssyncset.done $0x0  }
0x1e: {  	[sflag:s15] =	ssyncadd.s32 $0xFFFFCC00  }
0x1f: {  	[spmem:s5] =	stream.linear.scatter [tilespmem:s14], [sflag:$0x3], $0x3400, $0x38;
	[tilespmem:$0x1AEC0] =	vst v63  }
0x20: {  	_ =	swait.ge [sflag:s15], $0x3400  }
0x21: {  	[sflag:s15] =	ssyncset.done $0x0  }
0x22: {  	[sflag:s15] =	ssyncadd.s32 $0xFFFFCC00  }
0x23: {  	[spmem:s6] =	stream.linear.scatter [tilespmem:s14], [sflag:$0x3], $0x3400, $0x38;
	[tilespmem:$0x1AEC0] =	vst v63  }
0x24: {  	_ =	swait.ge [sflag:s15], $0x3400  }
0x25: {  	[sflag:s15] =	ssyncset.done $0x0  }
0x26: {  	s21 =	simm.s32 @!p0 $0xDE80;
	[sflag:s15] =	ssyncadd.s32 $0xFFFFCC00  }
0x27: {  	[spmem:s7] =	stream.linear.scatter @!p0 [tilespmem:s21], [sflag:$0x3], $0x400, $0x38;
	[tilespmem:$0x1AEC0] =	vst v63  }
0x28: {  	s21 =	simm.s32 @!p0 $0x3  }
0x29: {  	_ =	swait.ge @!p0 [sflag:s21], $0x400  }
0x2a: {  	[sflag:s21] =	ssyncset.done @!p0 $0x0  }
0x2b: {  	[sflag:s21] =	ssyncadd.s32 @!p0 $0xFFFFFC00  }
0x2c: {  	s31 =	simm.s32 $0x0;
	[bflag:$0x0] =	sbarrier.arrive $0xFFFF  }
0x2d: {  	[tilespmem:s31], [sflag:$0x3] =	stream.linear.gather [hbm4b:s8+s31], $0x5000, $0x38;
	[tilespmem:$0x1AEC0] =	vst v63  }
0x2e: {  	_ =	swait.ge [sflag:s15], $0x5000  }
0x2f: {  	[sflag:s15] =	ssyncset.done $0x0  }
0x30: {  	s22 =	simm.s32 $0x5000;
	[sflag:s15] =	ssyncadd.s32 $0xFFFFB000  }
0x31: {  	[tilespmem:s22], [sflag:$0x3] =	stream.linear.gather [hbm4b:s9+s31], $0x5000, $0x38;
	[tilespmem:$0x1AEC0] =	vst v63  }
0x32: {  	_ =	swait.ge [sflag:s15], $0x5000  }
0x33: {  	s21 =	sand.u32 $0x1, s31;
	[sflag:s15] =	ssyncset.done $0x0  }
0x34: {  	s23 =	simm.s32 $0x80;
	p1 =	seq.s32 s21, $0x1;
	[sflag:s15] =	ssyncadd.s32 $0xFFFFB000  }
0x35: {  	[tilespmem:s17], [sflag:$0x1] =	stream.indirect.gather [hbm4b:s10+s16], $0x40, s31, s16, $0xb8;
	[tilespmem:$0x1AEC0] =	vst v63  }
0x36: {  	s21 =	simm.s32 @p1 $0x7D;
	s24 =	simm.s32 @p1 $0xA000;
	s25 =	simm.s32 @p1 $0x2  }
0x37: {  	[tilespmem:s24], [sflag:$0x1] =	stream.indirect.gather @p1 [hbm4b:s10+s21], $0x40, s23, s21, $0xb8;
	[tilespmem:$0x1AEC0] =	vst v63  }
0x38: {  	_ =	swait.ge @p1 [sflag:s25], $0x1F40  }
0x39: {  	[sflag:s25] =	ssyncset.done @p1 $0x0  }
0x3a: {  	s24 =	simm.s32 @p1 $0xBF40;
	[sflag:s25] =	ssyncadd.s32 @p1 $0xFFFFE0C0  }
0x3b: {  	[spmem:s1] =	stream.indirect.scatter.add.f32 @p1 [tilespmem:s24], [sflag:$0x3], $0x40, s22, s21, $0xb8;
	[tilespmem:$0x1AEC0] =	vst v63  }
0x3c: {  	s25 =	simm.s32 @!p1 $0x1;
	s21 =	simm.s32 @!p1 $0x7D;
	s24 =	simm.s32 @!p1 $0xBF40  }
0x3d: {  	[tilespmem:s24], [sflag:$0x2] =	stream.indirect.gather @!p1 [hbm4b:s10+s21], $0x40, s23, s21, $0xb8;
	[tilespmem:$0x1AEC0] =	vst v63  }
0x3e: {  	_ =	swait.ge @!p1 [sflag:s25], $0x1F40  }
0x3f: {  	s26 =	simm.s32 $0x1;
	s24 =	simm.s32 @!p1 $0x4;
	[sflag:s25] =	ssyncset.done @!p1 $0x0  }
0x40: {  	s23 =	simm.s32 @!p1 $0xA000;
	s24 =	simm.s32 @p1 $0x3;
	[sflag:s25] =	ssyncadd.s32 @!p1 $0xFFFFE0C0  }
0x41: {  	[spmem:s1] =	stream.indirect.scatter.add.f32 @!p1 [tilespmem:s23], [sflag:$0x4], $0x40, s22, s21, $0xb8;
	[tilespmem:$0x1AEC0] =	vst v63  }
0x42: {  	s25 =	sand.u32 $0x1, s26;
	s23 =	simm.s32 $0x2;
	_ =	swait.ge [sflag:s24], $0x1F40  }
0x43: {  	s22 =	simm.s32 $0x100;
	s21 =	simm.s32 $0x5080;
	[sflag:s24] =	ssyncset.done $0x0  }
.LBB2_4:
0x44: {  	p1 =	seq.s32 s25, $0x1  }
0x45: {  	[sflag:s24] =	ssyncadd.s32 $0xFFFFE0C0;
	s25 =	smov.u32 s23;
	s23 =	sadd.s32 $0x1, s23  }
0x46: {  	s26 =	simm.s32 @p1 $0x7D;
	s24 =	simm.s32 @p1 $0xA000;
	s28 =	simm.s32 @p1 $0x2  }
0x47: {  	[tilespmem:s24], [sflag:$0x1] =	stream.indirect.gather @p1 [hbm4b:s10+s26], $0x40, s22, s26, $0xb8;
	[tilespmem:$0x1AEC0] =	vst v63  }
0x48: {  	p2 =	sne.s32 s23, $0x9F;
	s24 =	simm.s32 @!p1 $0x4;
	_ =	swait.ge @p1 [sflag:s28], $0x1F40  }
0x49: {  	[sflag:s28] =	ssyncset.done @p1 $0x0  }
0x4a: {  	[sflag:s28] =	ssyncadd.s32 @p1 $0xFFFFE0C0;
	s28 =	simm.s32 @p1 $0xBF40  }
0x4b: {  	[spmem:s1] =	stream.indirect.scatter.add.f32 @p1 [tilespmem:s28], [sflag:$0x3], $0x40, s21, s26, $0xb8;
	[tilespmem:$0x1AEC0] =	vst v63  }
0x4c: {  	s29 =	simm.s32 @!p1 $0x1;
	s26 =	simm.s32 @!p1 $0x7D;
	s28 =	simm.s32 @!p1 $0xBF40  }
0x4d: {  	[tilespmem:s28], [sflag:$0x2] =	stream.indirect.gather @!p1 [hbm4b:s10+s26], $0x40, s22, s26, $0xb8;
	[tilespmem:$0x1AEC0] =	vst v63  }
0x4e: {  	_ =	swait.ge @!p1 [sflag:s29], $0x1F40  }
.Ltmp1:
0x4f: {  	[sflag:s29] =	ssyncset.done @!p1 $0x0;
	(pc) =	sbr.rel @p2 .LBB2_4-.Ltmp1, $4  }
0x50: {  	s24 =	simm.s32 @p1 $0x3;
	s28 =	simm.s32 @!p1 $0xA000;
	[sflag:s29] =	ssyncadd.s32 @!p1 $0xFFFFE0C0  }
0x51: {  	[spmem:s1] =	stream.indirect.scatter.add.f32 @!p1 [tilespmem:s28], [sflag:$0x4], $0x40, s21, s26, $0xb8;
	[tilespmem:$0x1AEC0] =	vst v63  }
0x52: {  	s22 =	sadd.s32 $0x80, s22;
	_ =	swait.ge [sflag:s24], $0x1F40  }
0x53: {  	s25 =	sand.u32 $0x1, s25;
	s21 =	sadd.s32 $0x80, s21;
	[sflag:s24] =	ssyncset.done $0x0  }
0x54: {  	p1 =	seq.s32 s25, $0x1;
	[sflag:s24] =	ssyncadd.s32 $0xFFFFE0C0  }
0x55: {  	s23 =	simm.s32 @p1 $0x7D;
	s24 =	simm.s32 @p1 $0xA000;
	s25 =	simm.s32 @p1 $0x2  }
0x56: {  	[tilespmem:s24], [sflag:$0x1] =	stream.indirect.gather @p1 [hbm4b:s10+s23], $0x40, s22, s23, $0xb8;
	[tilespmem:$0x1AEC0] =	vst v63  }
0x57: {  	_ =	swait.ge @p1 [sflag:s25], $0x1F40  }
0x58: {  	[sflag:s25] =	ssyncset.done @p1 $0x0  }
0x59: {  	s24 =	simm.s32 @p1 $0xBF40;
	[sflag:s25] =	ssyncadd.s32 @p1 $0xFFFFE0C0  }
0x5a: {  	[spmem:s1] =	stream.indirect.scatter.add.f32 @p1 [tilespmem:s24], [sflag:$0x3], $0x40, s21, s23, $0xb8;
	[tilespmem:$0x1AEC0] =	vst v63  }
0x5b: {  	s25 =	simm.s32 @!p1 $0x1;
	s23 =	simm.s32 @!p1 $0x7D;
	s24 =	simm.s32 @!p1 $0xBF40  }
0x5c: {  	[tilespmem:s24], [sflag:$0x2] =	stream.indirect.gather @!p1 [hbm4b:s10+s23], $0x40, s22, s23, $0xb8;
	[tilespmem:$0x1AEC0] =	vst v63  }
0x5d: {  	_ =	swait.ge @!p1 [sflag:s25], $0x1F40  }
0x5e: {  	s22 =	simm.s32 @!p1 $0x4;
	[sflag:s25] =	ssyncset.done @!p1 $0x0  }
0x5f: {  	s24 =	simm.s32 @!p1 $0xA000;
	s22 =	simm.s32 @p1 $0x3;
	[sflag:s25] =	ssyncadd.s32 @!p1 $0xFFFFE0C0  }
0x60: {  	[spmem:s1] =	stream.indirect.scatter.add.f32 @!p1 [tilespmem:s24], [sflag:$0x4], $0x40, s21, s23, $0xb8;
	[tilespmem:$0x1AEC0] =	vst v63  }
0x61: {  	_ =	swait.ge [sflag:s22], $0x1F40  }
0x62: {  	[sflag:s22] =	ssyncset.done $0x0  }
0x63: {  	[sflag:s22] =	ssyncadd.s32 $0xFFFFE0C0  }
0x64: {  	_ =	swait.ge [sflag:s18], $0x1F40  }
0x65: {  	[sflag:s18] =	ssyncset.done $0x0  }
0x66: {  	[sflag:s18] =	ssyncadd.s32 $0xFFFFE0C0  }
0x67: {  	[spmem:s1] =	stream.indirect.scatter.add.f32 [tilespmem:s20], [sflag:$0x3], $0x40, s19, s16, $0xb8;
	[tilespmem:$0x1AEC0] =	vst v63  }
0x68: {  	_ =	swait.ge [sflag:s15], $0x1F40  }
0x69: {  	[sflag:s15] =	ssyncset.done $0x0  }
0x6a: {  	s30 =	sshll.u32 s3, $0x6;
	[sflag:s15] =	ssyncadd.s32 $0xFFFFE0C0  }
0x6b: {  	s31 =	sshrl.u32 s4, $0x3;
	s21 =	sor.u32 $0x1C03, s30;
	[bflag:$0x0] =	sbarrier.arrive $0xFFFF  }
0x6c: {  	[hbm:s11], [sflag:s21] =	dma.local [spmem:s31], $0x1380  }
0x6d: {  	_ =	swait.ge [sflag:s15], $0x1380  }
0x6e: {  	s2 =	sadd.s32 $0x1, s2;
	[sflag:s15] =	ssyncset.done $0x0  }
0x6f: {  	p1 =	sne.s32 s2, s13;
	s22 =	sshrl.u32 @!p0 s7, $0x3;
	[sflag:s15] =	ssyncadd.s32 $0xFFFFEC80  }
0x70: {  	[hbm:s12], [sflag:s21] =	dma.local @!p0 [spmem:s22], $0x80  }
.Ltmp2:
0x71: {  	_ = 	snop;
	(pc) =	sbr.rel @p1 .LBB2_1-.Ltmp2, $4  }
0x72: {  	s21 =	simm.s32 @!p0 $0x3  }
0x73: {  	_ =	swait.ge @!p0 [sflag:s21], $0x80  }
0x74: {  	[sflag:s21] =	ssyncset.done @!p0 $0x0  }
0x75: {  	[sflag:s21] =	ssyncadd.s32 @!p0 $0xFFFFFF80  }
0x76: {  	_ =	sfence.sel $0x180000  }
0x77: {  	[bflag:$0x0] =	sbarrier.arrive $0xFFFF  }
0x78: {  	_ =	strace $0x9000004A  }
0x79: {  	s0 =	sadd.s32 @!p0 $0x100000, s0;
	[bflag:$0x2] =	sbarrier.arrive $0xFFFF  }
0x7a: {  	[sflag:s0] =	ssyncadd.tile.s32 @!p0 $0x1;
	_ =	shalt  }
.Lfunc_end2:
_tile_overlayer_lowered:
.L_overlay_start_2:
0x7b: {  	(tag) =	ssettag $0x2  }
0x7c: {  	s0 =	rddreg [dreg:$0x0];
	s2 =	stileid.u32  }
0x7d: {  	s1 =	rddreg [dreg:$0x1];
	p0 =	sne.s32 s2, $0x0  }
0x7e: {  	s3 =	rddreg [dreg:$0x2];
	[bflag:$0x3] =	sbarrier.arrive $0xFFFF;
	s2 =	simm.s32 @!p0 $0x1C03  }
0x7f: {  	[timem:s3], [sflag:s2] =	dma.local @!p0 [hbm:s0], s1  }
0x80: {  	s0 =	simm.s32 @!p0 $0x3  }
0x81: {  	_ =	swait.ge @!p0 [sflag:s0], s1  }
0x82: {  	s1 =	ssub.s32 @!p0 $0x0, s1;
	[sflag:s0] =	ssyncset.done @!p0 $0x0  }
0x83: {  	[sflag:s0] =	ssyncadd.s32 @!p0 s1  }
0x84: {  	[bflag:$0x3] =	sbarrier.arrive $0xFFFF  }
0x85: {  	_ =	shalt  }

// kernel: kernel.14.cloned.1.call-start
scs
__scs_entry_jumppad:
0x0: {  	(pc) =	sbr.rel $0x88, $3  }
0x1: {  	(tag) =	ssettag $0x0;
	lr =	simm.s32 $0x1  }
0x2: {  	[smem:$0x3F9A] =	sst lr;
	_ =	strace $0xD0000000  }
0x3: {  	_ = 	snop  }
0x4: {  	_ = 	snop  }
0x5: {  	_ = 	snop  }
0x6: {  	_ = 	snop  }
0x7: {  	_ = 	snop  }
__scs_overlays_trampoline_lowered:
0x8: {  	[smem:$0x3FA9] =	sst s0  }
0x9: {  	[smem:$0x3FAA] =	sst s1  }
0xa: {  	[smem:$0x3FAB] =	sst s2  }
0xb: {  	[smem:$0x3FAC] =	sst s3  }
0xc: {  	[smem:$0x3FAD] =	sst s4  }
0xd: {  	[smem:$0x3FAE] =	sst s5  }
0xe: {  	[smem:$0x3FAF] =	sst s6  }
0xf: {  	[smem:$0x3FB0] =	sst s7  }
0x10: {  	[smem:$0x3FB1] =	sst s8  }
0x11: {  	[smem:$0x3FB2] =	sst s9;
	s0 =	simm.s32 @!p0 $0x0  }
0x12: {  	s1 =	sld [smem:$0x3F98];
	s0 =	simm.s32 @p0 $0x1  }
0x13: {  	[smem:$0x3FB3] =	sst s0;
	s0 =	simm.s32 @!p1 $0x0  }
0x14: {  	s2 =	sld [smem:$0x3F97];
	s0 =	simm.s32 @p1 $0x1  }
0x15: {  	[smem:$0x3FB4] =	sst s0;
	s0 =	simm.s32 @!p2 $0x0  }
0x16: {  	s3 =	sld [smem:$0x3FDB];
	s0 =	simm.s32 @p2 $0x1  }
0x17: {  	s4 =	simm.s32 $0x1BF5;
	[smem:$0x3FB6] =	sst s0  }
0x18: {  	s0 =	sld [smem:$0x3F99];
	_ =	swait.ge [sflag:s4], $0x0  }
0x19: {  	s7 =	sld [smem:$0x3F9A]  }
0x1a: {  	s8 =	sadd.s32 $0xFFFFE003, lr  }
0x1b: {  	s9 =	sadd.s32 $0xFFFFFEF7, lr;
	s5 =	simm.s32 $0xFFFFFFFF;
	p2 =	slt.u32 s8, $0xFFFFF086  }
0x1c: {  	p1 =	slt.u32 s9, $0xF7A;
	s5 =	simm.s32 @!p2 $0x0  }
0x1d: {  	s5 =	simm.s32 @p1 $0x1;
	p0 =	seq.s32 s7, s2  }
0x1e: {  	s7 =	smul.u32 @!p0 $0xF7A, s2;
	p2 =	seq.s32 @!p0 s5, $0x0  }
0x1f: {  	s9 =	smul.u32 $0xF7A, s1;
	s8 =	simm.s32 @!p0 $0x1BF5;
	p2 =	por !p2, p0  }
0x20: {  	[sflag:s8] =	ssyncset.s32 @!p0 $0xFFFFF086;
	s6 =	sadd.s32 @!p0 s3, s7;
	s7 =	simm.s32 @!p0 $0x108  }
0x21: {  	s3 =	sadd.s32 s3, s9;
	s6 =	sadd.s32 @!p0 $0x88, s6;
	s7 =	simm.s32 @p2 $0x1082  }
0x22: {  	[simem:s7], [sflag:s8] =	dma.local @!p0 [hbm:s6], $0xF7A  }
0x23: {  	s9 =	sor.u32 $0xD0000000, s2;
	s6 =	simm.s32 $0x108;
	_ =	swait.ge @!p0 [sflag:s8], $0x0  }
0x24: {  	s3 =	sadd.s32 $0x88, s3;
	s6 =	simm.s32 @!p1 $0x1082;
	[sflag:s4] =	ssyncset.s32 $0xFFFFF086  }
0x25: {  	[simem:s6], [sflag:s4] =	dma.local [hbm:s3], $0xF7A  }
0x26: {  	[smem:$0x3F9A] =	sst s1;
	(tag) =	ssettag s2;
	_ =	strace s9  }
0x27: {  	s1 =	sld [smem:$0x3FAA]  }
0x28: {  	s2 =	sld [smem:$0x3FAB]  }
0x29: {  	s4 =	sld [smem:$0x3FAD]  }
0x2a: {  	p0 =	seq.s32 s5, $0x0;
	s5 =	sld [smem:$0x3FAE]  }
0x2b: {  	s6 =	sld [smem:$0x3FAF]  }
0x2c: {  	s7 =	sld [smem:$0x3FB0]  }
0x2d: {  	s3 =	simm.s32 $0x108;
	s8 =	sld [smem:$0x3FB1]  }
0x2e: {  	s3 =	simm.s32 @!p0 $0x1082;
	s9 =	sld [smem:$0x3FB2]  }
0x2f: {  	lr =	sadd.s32 s0, s3;
	s0 =	sld [smem:$0x3FA9]  }
0x30: {  	s3 =	sld [smem:$0x3FAC]  }
0x31: {  	[smem:$0x3FB5] =	sst s10  }
0x32: {  	s10 =	sld [smem:$0x3FB3];
	_ =	sdelay $0x3  }
0x33: {  	p0 =	seq.s32 s10, $0x1;
	s10 =	sld [smem:$0x3FB5];
	_ =	sdelay $0x3  }
0x34: {  	[smem:$0x3FB5] =	sst s10  }
0x35: {  	s10 =	sld [smem:$0x3FB4];
	_ =	sdelay $0x3  }
0x36: {  	p1 =	seq.s32 s10, $0x1;
	s10 =	sld [smem:$0x3FB5];
	_ =	sdelay $0x3  }
0x37: {  	[smem:$0x3FB5] =	sst s10  }
0x38: {  	s10 =	sld [smem:$0x3FB6]  }
0x39: {  	_ = 	snop;
	(pc) =	sbr.ind lr, $3  }
0x3a: {  	_ = 	snop  }
0x3b: {  	_ = 	snop  }
0x3c: {  	p2 =	seq.s32 s10, $0x1;
	s10 =	sld [smem:$0x3FB5]  }
0x3d: {  	_ =	shalt  }
0x3e: {  	_ =	shalt  }
0x3f: {  	_ =	shalt  }
0x40: {  	_ =	shalt  }
0x41: {  	_ =	shalt  }
0x42: {  	_ =	shalt  }
0x43: {  	_ =	shalt  }
0x44: {  	_ =	shalt  }
0x45: {  	_ =	shalt  }
0x46: {  	_ =	shalt  }
0x47: {  	_ =	shalt  }
0x48: {  	_ =	shalt  }
0x49: {  	_ =	shalt  }
0x4a: {  	_ =	shalt  }
0x4b: {  	_ =	shalt  }
0x4c: {  	_ =	shalt  }
0x4d: {  	_ =	shalt  }
0x4e: {  	_ =	shalt  }
0x4f: {  	_ =	shalt  }
0x50: {  	_ =	shalt  }
0x51: {  	_ =	shalt  }
0x52: {  	_ =	shalt  }
0x53: {  	_ =	shalt  }
0x54: {  	_ =	shalt  }
0x55: {  	_ =	shalt  }
0x56: {  	_ =	shalt  }
0x57: {  	_ =	shalt  }
0x58: {  	_ =	shalt  }
0x59: {  	_ =	shalt  }
0x5a: {  	_ =	shalt  }
0x5b: {  	_ =	shalt  }
0x5c: {  	_ =	shalt  }
0x5d: {  	_ =	shalt  }
0x5e: {  	_ =	shalt  }
0x5f: {  	_ =	shalt  }
0x60: {  	_ =	shalt  }
0x61: {  	_ =	shalt  }
0x62: {  	_ =	shalt  }
0x63: {  	_ =	shalt  }
0x64: {  	_ =	shalt  }
0x65: {  	_ =	shalt  }
0x66: {  	_ =	shalt  }
0x67: {  	_ =	shalt  }
0x68: {  	_ =	shalt  }
0x69: {  	_ =	shalt  }
0x6a: {  	_ =	shalt  }
0x6b: {  	_ =	shalt  }
0x6c: {  	_ =	shalt  }
0x6d: {  	_ =	shalt  }
0x6e: {  	_ =	shalt  }
0x6f: {  	_ =	shalt  }
0x70: {  	_ =	shalt  }
0x71: {  	_ =	shalt  }
0x72: {  	_ =	shalt  }
0x73: {  	_ =	shalt  }
0x74: {  	_ =	shalt  }
0x75: {  	_ =	shalt  }
0x76: {  	_ =	shalt  }
0x77: {  	_ =	shalt  }
0x78: {  	_ =	shalt  }
0x79: {  	_ =	shalt  }
0x7a: {  	_ =	shalt  }
0x7b: {  	_ =	shalt  }
0x7c: {  	_ =	shalt  }
0x7d: {  	_ =	shalt  }
0x7e: {  	_ =	shalt  }
0x7f: {  	_ =	shalt  }
0x80: {  	_ =	shalt  }
0x81: {  	_ =	shalt  }
0x82: {  	_ =	shalt  }
0x83: {  	_ =	shalt  }
0x84: {  	_ =	shalt  }
0x85: {  	_ =	shalt  }
0x86: {  	_ =	shalt  }
0x87: {  	_ =	shalt  }
.Lfunc_end0:
.L_simem_size_0:
called_computation.2_lowered:
.L_overlay_start_0:
0x88: {  	s2 =	sld [smem:$0x3FD9]  }
0x89: {  	s3 =	sld [smem:$0x3FFE];
	_ =	sdelay $0x1  }
0x8a: {  	s1 =	srdreg.scid  }
0x8b: {  	s0 =	sand.u32 $0x1, s1  }
0x8c: {  	s16 =	sshll.u32 s0, $0xA;
	s2 =	sadd.s32 s3, s2  }
0x8d: {  	s2 =	sadd.s32 s2, s16  }
0x8e: {  	[smem:$0x3FC1] =	sst s2  }
0x8f: {  	_ = 	snop  }
0x90: {  	(tm) =	ssettm $0x1  }
0x91: {  	s17 =	sld [smem:$0x3FFB];
	_ =	sdelay $0x3  }
0x92: {  	_ =	strace s17  }
0x93: {  	s2 =	sld [smem:$0x3FFC];
	_ =	sdelay $0x3  }
0x94: {  	_ =	strace s2  }
0x95: {  	s2 =	sld [smem:$0x3FFD];
	_ =	sdelay $0x3  }
0x96: {  	_ =	strace s2  }
0x97: {  	_ =	strace $0x8FFFFFFF  }
0x98: {  	s18 =	sld [smem:$0x3FDB];
	_ =	sdelay $0x1  }
0x99: {  	s19 =	simm.s32 $_scs_section_size  }
0x9a: {  	s4 =	simm.s32 $_size__tile_overlayer_lowered;
	s5 =	simm.s32 $_tile_overlayer_lowered  }
0x9b: {  	s22 =	simm.s32 $0x1BFF;
	s21 =	sshll.u32 s5, $0x1;
	s2 =	sadd.s32 s19, s18  }
0x9c: {  	s6 =	simm.s32 $0x0;
	s20 =	sshll.u32 s4, $0x1;
	s4 =	sadd.s32 s21, s2  }
0x9d: {  	[timem:s6], [sflag:s22] =	dma.local [hbm:s4], s20  }
0x9e: {  	_ =	swait.ge [sflag:s22], s20  }
0x9f: {  	s3 =	ssub.s32 $0x0, s20;
	[sflag:s22] =	ssyncset.done $0x0  }
0xa0: {  	[sflag:s22] =	ssyncadd.s32 s3;
	_ =	sdelay $0x1  }
0xa1: {  	s23 =	simm.s32 $0x1B8B  }
0xa2: {  	_ =	swait.ge [sflag:s23], $0x1  }
0xa3: {  	[sflag:s23] =	ssyncset.done $0x0  }
0xa4: {  	s25 =	simm.s32 $0x1B8E;
	s24 =	sld [smem:$0x3FFE];
	[sflag:s23] =	ssyncadd.s32 $0xFFFFFFFF  }
0xa5: {  	s26 =	simm.s32 $execute0_lowered;
	[smem:$0x3FD2] =	sst s25  }
0xa6: {  	s4 =	sshll.u32 s26, $0x1;
	_ =	strace $0x8000004C;
	[dreg:$0x1] =	wrdreg $0xFFFFFFFF  }
0xa7: {  	s28 =	simm.s32 $_size_execute0_lowered;
	s2 =	sadd.s32 s2, s4;
	[dreg:$0x0] =	wrdreg $0x0  }
0xa8: {  	s4 =	sshll.u32 s28, $0x1;
	[dreg:$0x2] =	wrdreg s2  }
0xa9: {  	[dreg:$0x3] =	wrdreg s4  }
0xaa: {  	[dreg:$0x4] =	wrdreg $0xC0  }
0xab: {  	_ =	task [dreg:s6], $0x5FFFF  }
0xac: {  	[dreg:$0x1] =	wrdreg $0xFFFFFFFF  }
0xad: {  	[dreg:$0x0] =	wrdreg $0x60  }
0xae: {  	[dreg:$0x2] =	wrdreg s24  }
0xaf: {  	[dreg:$0x3] =	wrdreg $0x112800  }
0xb0: {  	[dreg:$0x4] =	wrdreg $0x9  }
0xb1: {  	_ =	task.clear_ibuf [dreg:s6], $0x5FFFF;
	_ =	strace $0x9000004C  }
0xb2: {  	s29 =	simm.s32 $0x9;
	_ =	strace $0x8000004E  }
0xb3: {  	_ =	swait.ge [sflag:s29], $0x1  }
0xb4: {  	[sflag:s29] =	ssyncadd.s32 $0xFFFFFFFF  }
0xb5: {  	_ =	strace $0x9000004E  }
0xb6: {  	_ =	sfence  }
0xb7: {  	s30 =	sld [smem:$0x0];
	_ =	sdelay $0x2  }
0xb8: {  	s31 =	sshll.u32 s1, $0xD;
	s1 =	sshrl.u32 s1, $0x2  }
0xb9: {  	s3 =	sand.u32 $0x4000, s31;
	s1 =	sadd.s32 s1, s30  }
0xba: {  	s0 =	sor.u32 s3, s0;
	s1 =	sshll.u32 s1, $0x11  }
0xbb: {  	s0 =	sor.u32 s1, s0  }
0xbc: {  	s0 =	sadd.s32 $0x8F2B, s0  }
0xbd: {  	[sflag:s0] =	ssyncadd.remote.s32 $0x1  }
0xbe: {  	_ =	sfence.sel $0xFFFF  }
0xbf: {  	[dreg:$0x0] =	wrdreg $0xFFFFFFFF;
	(pc) =	sbr.abs _section_cstart, $3  }
0xc0: {  	[dreg:$0x1] =	wrdreg $0xFFFFFFFF  }
0xc1: {  	_ =	task.clear_ibuf [dreg:s6], $0x2FFFF;
	_ =	strace $0x9FFFFFFF  }
0xc2: {  	(tm) =	ssettm $0x7FFFFFFF  }
0xc3: {  	_ =	shalt  }
tec
execute0_lowered:
.L_overlay_start_1:
0x0: {  	(tag) =	ssettag $0x1  }
0x1: {  	s4 =	rddreg [dreg:$0x0]  }
0x2: {  	s1 =	rddreg [dreg:$0x1]  }
0x3: {  	s2 =	srdreg.scid;
	s0 =	rddreg [dreg:$0x2]  }
0x4: {  	s3 =	stileid.u32;
	s16 =	simm.s32 $0x7D;
	s17 =	simm.s32 $0xA000  }
0x5: {  	s18 =	simm.s32 $0x2;
	s19 =	simm.s32 $0x9F80;
	s6 =	smul.u32 $0xA00, s3  }
0x6: {  	s20 =	simm.s32 $0xBF40;
	s5 =	sand.u32 $0x1, s2;
	s7 =	smul.u32 $0x27000, s3  }
0x7: {  	s2 =	simm.s32 $0x0;
	s13 =	smul.u32 $0x9C00, s3;
	s14 =	sadd.s32 $0x9EA00, s4  }
0x8: {  	p0 =	sne.s32 s3, $0x0;
	s9 =	smul.u32 $0x9C400, s5;
	[smem:$0x7FF] =	sst s2  }
0x9: {  	s5 =	ssub.s32 $0x2, s5;
	_ =	strace $0x8000004D;
	s12 =	sadd.s32 s6, s4  }
0xa: {  	s28 =	sshrl.u32 s5, $0x1;
	s7 =	sshrl.u32 s7, $0x2;
	s10 =	sshrl.u32 s9, $0x3  }
0xb: {  	s15 =	ssub.s32 s5, s28;
	s29 =	sadd.s32 s7, s1;
	s7 =	sadd.s32 $0x9C000, s1  }
0xc: {  	s8 =	sadd.s32 $0x1F600, s12;
	s11 =	sadd.s32 s10, s4;
	s4 =	sadd.s32 s13, s1  }
0xd: {  	s5 =	sadd.s32 $0x3400, s29;
	s6 =	sadd.s32 $0x6800, s29;
	s13 =	sadd.s32 s13, s9  }
0xe: {  	s9 =	sadd.s32 $0x15600, s12;
	s31 =	sadd.s32 s14, s10;
	s30 =	sshrl.u32 s13, $0x3  }
0xf: {  	s10 =	sadd.s32 $0x77800, s11;
	s12 =	sadd.s32 $0x13800, s31;
	s13 =	smax.u32 s15, $0x1  }
0x10: {  	v0 =	vimm.f32 $0.0e+00;
	s15 =	simm.s32 $0x3;
	s11 =	sadd.s32 s14, s30;
	s14 =	simm.s32 $0xDE80  }
.LBB2_1:
0x11: {  	s22 =	simm.s32 $0x100;
	s21 =	simm.s32 $0x0  }
.LBB2_2:
0x12: {  	p1 =	sne.s32 s22, $0xCF00;
	[tilespmem:s21+$0xDEB0] =	vst v0;
	s23 =	smov.u32 s22;
	s22 =	sadd.s32 $0x100, s22  }
.Ltmp0:
0x13: {  	[tilespmem:s21+$0xDEA0] =	vst v0;
	(pc) =	sbr.rel @p1 .LBB2_2-.Ltmp0, $3  }
0x14: {  	[tilespmem:s21+$0xDE80] =	vst v0  }
0x15: {  	[tilespmem:s21+$0xDE90] =	vst v0;
	_ =	sdelay $0x1  }
0x16: {  	s21 =	sshra.s32 s23, $0x2  }
0x17: {  	[tilespmem:s21+$0xDEB0] =	vst v0  }
0x18: {  	[tilespmem:s21+$0xDEA0] =	vst v0  }
0x19: {  	[tilespmem:s21+$0xDE80] =	vst v0  }
0x1a: {  	[tilespmem:s21+$0xDE90] =	vst v0  }
0x1b: {  	[spmem:s4] =	stream.linear.scatter [tilespmem:s14], [sflag:$0x3], $0x3400, $0x38;
	[tilespmem:$0x1AEC0] =	vst v63  }
0x1c: {  	_ =	swait.ge [sflag:s15], $0x3400  }
0x1d: {  	[sflag:s15] =	ssyncset.done $0x0  }
0x1e: {  	[sflag:s15] =	ssyncadd.s32 $0xFFFFCC00  }
0x1f: {  	[spmem:s5] =	stream.linear.scatter [tilespmem:s14], [sflag:$0x3], $0x3400, $0x38;
	[tilespmem:$0x1AEC0] =	vst v63  }
0x20: {  	_ =	swait.ge [sflag:s15], $0x3400  }
0x21: {  	[sflag:s15] =	ssyncset.done $0x0  }
0x22: {  	[sflag:s15] =	ssyncadd.s32 $0xFFFFCC00  }
0x23: {  	[spmem:s6] =	stream.linear.scatter [tilespmem:s14], [sflag:$0x3], $0x3400, $0x38;
	[tilespmem:$0x1AEC0] =	vst v63  }
0x24: {  	_ =	swait.ge [sflag:s15], $0x3400  }
0x25: {  	[sflag:s15] =	ssyncset.done $0x0  }
0x26: {  	s21 =	simm.s32 @!p0 $0xDE80;
	[sflag:s15] =	ssyncadd.s32 $0xFFFFCC00  }
0x27: {  	[spmem:s7] =	stream.linear.scatter @!p0 [tilespmem:s21], [sflag:$0x3], $0x400, $0x38;
	[tilespmem:$0x1AEC0] =	vst v63  }
0x28: {  	s21 =	simm.s32 @!p0 $0x3  }
0x29: {  	_ =	swait.ge @!p0 [sflag:s21], $0x400  }
0x2a: {  	[sflag:s21] =	ssyncset.done @!p0 $0x0  }
0x2b: {  	[sflag:s21] =	ssyncadd.s32 @!p0 $0xFFFFFC00  }
0x2c: {  	s31 =	simm.s32 $0x0;
	[bflag:$0x0] =	sbarrier.arrive $0xFFFF  }
0x2d: {  	[tilespmem:s31], [sflag:$0x3] =	stream.linear.gather [hbm4b:s8+s31], $0x5000, $0x38;
	[tilespmem:$0x1AEC0] =	vst v63  }
0x2e: {  	_ =	swait.ge [sflag:s15], $0x5000  }
0x2f: {  	[sflag:s15] =	ssyncset.done $0x0  }
0x30: {  	s22 =	simm.s32 $0x5000;
	[sflag:s15] =	ssyncadd.s32 $0xFFFFB000  }
0x31: {  	[tilespmem:s22], [sflag:$0x3] =	stream.linear.gather [hbm4b:s9+s31], $0x5000, $0x38;
	[tilespmem:$0x1AEC0] =	vst v63  }
0x32: {  	_ =	swait.ge [sflag:s15], $0x5000  }
0x33: {  	s21 =	sand.u32 $0x1, s31;
	[sflag:s15] =	ssyncset.done $0x0  }
0x34: {  	s23 =	simm.s32 $0x80;
	p1 =	seq.s32 s21, $0x1;
	[sflag:s15] =	ssyncadd.s32 $0xFFFFB000  }
0x35: {  	[tilespmem:s17], [sflag:$0x1] =	stream.indirect.gather [hbm4b:s10+s16], $0x40, s31, s16, $0xb8;
	[tilespmem:$0x1AEC0] =	vst v63  }
0x36: {  	s21 =	simm.s32 @p1 $0x7D;
	s24 =	simm.s32 @p1 $0xA000;
	s25 =	simm.s32 @p1 $0x2  }
0x37: {  	[tilespmem:s24], [sflag:$0x1] =	stream.indirect.gather @p1 [hbm4b:s10+s21], $0x40, s23, s21, $0xb8;
	[tilespmem:$0x1AEC0] =	vst v63  }
0x38: {  	_ =	swait.ge @p1 [sflag:s25], $0x1F40  }
0x39: {  	[sflag:s25] =	ssyncset.done @p1 $0x0  }
0x3a: {  	s24 =	simm.s32 @p1 $0xBF40;
	[sflag:s25] =	ssyncadd.s32 @p1 $0xFFFFE0C0  }
0x3b: {  	[spmem:s1] =	stream.indirect.scatter.add.f32 @p1 [tilespmem:s24], [sflag:$0x3], $0x40, s22, s21, $0xb8;
	[tilespmem:$0x1AEC0] =	vst v63  }
0x3c: {  	s25 =	simm.s32 @!p1 $0x1;
	s21 =	simm.s32 @!p1 $0x7D;
	s24 =	simm.s32 @!p1 $0xBF40  }
0x3d: {  	[tilespmem:s24], [sflag:$0x2] =	stream.indirect.gather @!p1 [hbm4b:s10+s21], $0x40, s23, s21, $0xb8;
	[tilespmem:$0x1AEC0] =	vst v63  }
0x3e: {  	_ =	swait.ge @!p1 [sflag:s25], $0x1F40  }
0x3f: {  	s26 =	simm.s32 $0x1;
	s24 =	simm.s32 @!p1 $0x4;
	[sflag:s25] =	ssyncset.done @!p1 $0x0  }
0x40: {  	s23 =	simm.s32 @!p1 $0xA000;
	s24 =	simm.s32 @p1 $0x3;
	[sflag:s25] =	ssyncadd.s32 @!p1 $0xFFFFE0C0  }
0x41: {  	[spmem:s1] =	stream.indirect.scatter.add.f32 @!p1 [tilespmem:s23], [sflag:$0x4], $0x40, s22, s21, $0xb8;
	[tilespmem:$0x1AEC0] =	vst v63  }
0x42: {  	s25 =	sand.u32 $0x1, s26;
	s23 =	simm.s32 $0x2;
	_ =	swait.ge [sflag:s24], $0x1F40  }
0x43: {  	s22 =	simm.s32 $0x100;
	s21 =	simm.s32 $0x5080;
	[sflag:s24] =	ssyncset.done $0x0  }
.LBB2_4:
0x44: {  	p1 =	seq.s32 s25, $0x1  }
0x45: {  	[sflag:s24] =	ssyncadd.s32 $0xFFFFE0C0;
	s25 =	smov.u32 s23;
	s23 =	sadd.s32 $0x1, s23  }
0x46: {  	s26 =	simm.s32 @p1 $0x7D;
	s24 =	simm.s32 @p1 $0xA000;
	s28 =	simm.s32 @p1 $0x2  }
0x47: {  	[tilespmem:s24], [sflag:$0x1] =	stream.indirect.gather @p1 [hbm4b:s10+s26], $0x40, s22, s26, $0xb8;
	[tilespmem:$0x1AEC0] =	vst v63  }
0x48: {  	p2 =	sne.s32 s23, $0x9F;
	s24 =	simm.s32 @!p1 $0x4;
	_ =	swait.ge @p1 [sflag:s28], $0x1F40  }
0x49: {  	[sflag:s28] =	ssyncset.done @p1 $0x0  }
0x4a: {  	[sflag:s28] =	ssyncadd.s32 @p1 $0xFFFFE0C0;
	s28 =	simm.s32 @p1 $0xBF40  }
0x4b: {  	[spmem:s1] =	stream.indirect.scatter.add.f32 @p1 [tilespmem:s28], [sflag:$0x3], $0x40, s21, s26, $0xb8;
	[tilespmem:$0x1AEC0] =	vst v63  }
0x4c: {  	s29 =	simm.s32 @!p1 $0x1;
	s26 =	simm.s32 @!p1 $0x7D;
	s28 =	simm.s32 @!p1 $0xBF40  }
0x4d: {  	[tilespmem:s28], [sflag:$0x2] =	stream.indirect.gather @!p1 [hbm4b:s10+s26], $0x40, s22, s26, $0xb8;
	[tilespmem:$0x1AEC0] =	vst v63  }
0x4e: {  	_ =	swait.ge @!p1 [sflag:s29], $0x1F40  }
.Ltmp1:
0x4f: {  	[sflag:s29] =	ssyncset.done @!p1 $0x0;
	(pc) =	sbr.rel @p2 .LBB2_4-.Ltmp1, $4  }
0x50: {  	s24 =	simm.s32 @p1 $0x3;
	s28 =	simm.s32 @!p1 $0xA000;
	[sflag:s29] =	ssyncadd.s32 @!p1 $0xFFFFE0C0  }
0x51: {  	[spmem:s1] =	stream.indirect.scatter.add.f32 @!p1 [tilespmem:s28], [sflag:$0x4], $0x40, s21, s26, $0xb8;
	[tilespmem:$0x1AEC0] =	vst v63  }
0x52: {  	s22 =	sadd.s32 $0x80, s22;
	_ =	swait.ge [sflag:s24], $0x1F40  }
0x53: {  	s25 =	sand.u32 $0x1, s25;
	s21 =	sadd.s32 $0x80, s21;
	[sflag:s24] =	ssyncset.done $0x0  }
0x54: {  	p1 =	seq.s32 s25, $0x1;
	[sflag:s24] =	ssyncadd.s32 $0xFFFFE0C0  }
0x55: {  	s23 =	simm.s32 @p1 $0x7D;
	s24 =	simm.s32 @p1 $0xA000;
	s25 =	simm.s32 @p1 $0x2  }
0x56: {  	[tilespmem:s24], [sflag:$0x1] =	stream.indirect.gather @p1 [hbm4b:s10+s23], $0x40, s22, s23, $0xb8;
	[tilespmem:$0x1AEC0] =	vst v63  }
0x57: {  	_ =	swait.ge @p1 [sflag:s25], $0x1F40  }
0x58: {  	[sflag:s25] =	ssyncset.done @p1 $0x0  }
0x59: {  	s24 =	simm.s32 @p1 $0xBF40;
	[sflag:s25] =	ssyncadd.s32 @p1 $0xFFFFE0C0  }
0x5a: {  	[spmem:s1] =	stream.indirect.scatter.add.f32 @p1 [tilespmem:s24], [sflag:$0x3], $0x40, s21, s23, $0xb8;
	[tilespmem:$0x1AEC0] =	vst v63  }
0x5b: {  	s25 =	simm.s32 @!p1 $0x1;
	s23 =	simm.s32 @!p1 $0x7D;
	s24 =	simm.s32 @!p1 $0xBF40  }
0x5c: {  	[tilespmem:s24], [sflag:$0x2] =	stream.indirect.gather @!p1 [hbm4b:s10+s23], $0x40, s22, s23, $0xb8;
	[tilespmem:$0x1AEC0] =	vst v63  }
0x5d: {  	_ =	swait.ge @!p1 [sflag:s25], $0x1F40  }
0x5e: {  	s22 =	simm.s32 @!p1 $0x4;
	[sflag:s25] =	ssyncset.done @!p1 $0x0  }
0x5f: {  	s24 =	simm.s32 @!p1 $0xA000;
	s22 =	simm.s32 @p1 $0x3;
	[sflag:s25] =	ssyncadd.s32 @!p1 $0xFFFFE0C0  }
0x60: {  	[spmem:s1] =	stream.indirect.scatter.add.f32 @!p1 [tilespmem:s24], [sflag:$0x4], $0x40, s21, s23, $0xb8;
	[tilespmem:$0x1AEC0] =	vst v63  }
0x61: {  	_ =	swait.ge [sflag:s22], $0x1F40  }
0x62: {  	[sflag:s22] =	ssyncset.done $0x0  }
0x63: {  	[sflag:s22] =	ssyncadd.s32 $0xFFFFE0C0  }
0x64: {  	_ =	swait.ge [sflag:s18], $0x1F40  }
0x65: {  	[sflag:s18] =	ssyncset.done $0x0  }
0x66: {  	[sflag:s18] =	ssyncadd.s32 $0xFFFFE0C0  }
0x67: {  	[spmem:s1] =	stream.indirect.scatter.add.f32 [tilespmem:s20], [sflag:$0x3], $0x40, s19, s16, $0xb8;
	[tilespmem:$0x1AEC0] =	vst v63  }
0x68: {  	_ =	swait.ge [sflag:s15], $0x1F40  }
0x69: {  	[sflag:s15] =	ssyncset.done $0x0  }
0x6a: {  	s30 =	sshll.u32 s3, $0x6;
	[sflag:s15] =	ssyncadd.s32 $0xFFFFE0C0  }
0x6b: {  	s31 =	sshrl.u32 s4, $0x3;
	s21 =	sor.u32 $0x1C03, s30;
	[bflag:$0x0] =	sbarrier.arrive $0xFFFF  }
0x6c: {  	[hbm:s11], [sflag:s21] =	dma.local [spmem:s31], $0x1380  }
0x6d: {  	_ =	swait.ge [sflag:s15], $0x1380  }
0x6e: {  	s2 =	sadd.s32 $0x1, s2;
	[sflag:s15] =	ssyncset.done $0x0  }
0x6f: {  	p1 =	sne.s32 s2, s13;
	s22 =	sshrl.u32 @!p0 s7, $0x3;
	[sflag:s15] =	ssyncadd.s32 $0xFFFFEC80  }
0x70: {  	[hbm:s12], [sflag:s21] =	dma.local @!p0 [spmem:s22], $0x80  }
.Ltmp2:
0x71: {  	_ = 	snop;
	(pc) =	sbr.rel @p1 .LBB2_1-.Ltmp2, $4  }
0x72: {  	s21 =	simm.s32 @!p0 $0x3  }
0x73: {  	_ =	swait.ge @!p0 [sflag:s21], $0x80  }
0x74: {  	[sflag:s21] =	ssyncset.done @!p0 $0x0  }
0x75: {  	[sflag:s21] =	ssyncadd.s32 @!p0 $0xFFFFFF80  }
0x76: {  	_ =	sfence.sel $0x180000  }
0x77: {  	[bflag:$0x0] =	sbarrier.arrive $0xFFFF  }
0x78: {  	_ =	strace $0x9000004D  }
0x79: {  	s0 =	sadd.s32 @!p0 $0x100000, s0;
	[bflag:$0x2] =	sbarrier.arrive $0xFFFF  }
0x7a: {  	[sflag:s0] =	ssyncadd.tile.s32 @!p0 $0x1;
	_ =	shalt  }
.Lfunc_end2:
_tile_overlayer_lowered:
.L_overlay_start_2:
0x7b: {  	(tag) =	ssettag $0x2  }
0x7c: {  	s0 =	rddreg [dreg:$0x0];
	s2 =	stileid.u32  }
0x7d: {  	s1 =	rddreg [dreg:$0x1];
	p0 =	sne.s32 s2, $0x0  }
0x7e: {  	s3 =	rddreg [dreg:$0x2];
	[bflag:$0x3] =	sbarrier.arrive $0xFFFF;
	s2 =	simm.s32 @!p0 $0x1C03  }
0x7f: {  	[timem:s3], [sflag:s2] =	dma.local @!p0 [hbm:s0], s1  }
0x80: {  	s0 =	simm.s32 @!p0 $0x3  }
0x81: {  	_ =	swait.ge @!p0 [sflag:s0], s1  }
0x82: {  	s1 =	ssub.s32 @!p0 $0x0, s1;
	[sflag:s0] =	ssyncset.done @!p0 $0x0  }
0x83: {  	[sflag:s0] =	ssyncadd.s32 @!p0 s1  }
0x84: {  	[bflag:$0x3] =	sbarrier.arrive $0xFFFF  }
0x85: {  	_ =	shalt  }

// kernel: kernel.8.cloned.1.call-start
scs
__scs_entry_jumppad:
0x0: {  	(pc) =	sbr.rel $0x88, $3  }
0x1: {  	(tag) =	ssettag $0x0;
	lr =	simm.s32 $0x1  }
0x2: {  	[smem:$0x3F9A] =	sst lr;
	_ =	strace $0xD0000000  }
0x3: {  	_ = 	snop  }
0x4: {  	_ = 	snop  }
0x5: {  	_ = 	snop  }
0x6: {  	_ = 	snop  }
0x7: {  	_ = 	snop  }
__scs_overlays_trampoline_lowered:
0x8: {  	[smem:$0x3FA9] =	sst s0  }
0x9: {  	[smem:$0x3FAA] =	sst s1  }
0xa: {  	[smem:$0x3FAB] =	sst s2  }
0xb: {  	[smem:$0x3FAC] =	sst s3  }
0xc: {  	[smem:$0x3FAD] =	sst s4  }
0xd: {  	[smem:$0x3FAE] =	sst s5  }
0xe: {  	[smem:$0x3FAF] =	sst s6  }
0xf: {  	[smem:$0x3FB0] =	sst s7  }
0x10: {  	[smem:$0x3FB1] =	sst s8  }
0x11: {  	[smem:$0x3FB2] =	sst s9;
	s0 =	simm.s32 @!p0 $0x0  }
0x12: {  	s1 =	sld [smem:$0x3F98];
	s0 =	simm.s32 @p0 $0x1  }
0x13: {  	[smem:$0x3FB3] =	sst s0;
	s0 =	simm.s32 @!p1 $0x0  }
0x14: {  	s2 =	sld [smem:$0x3F97];
	s0 =	simm.s32 @p1 $0x1  }
0x15: {  	[smem:$0x3FB4] =	sst s0;
	s0 =	simm.s32 @!p2 $0x0  }
0x16: {  	s3 =	sld [smem:$0x3FDB];
	s0 =	simm.s32 @p2 $0x1  }
0x17: {  	s4 =	simm.s32 $0x1BF5;
	[smem:$0x3FB6] =	sst s0  }
0x18: {  	s0 =	sld [smem:$0x3F99];
	_ =	swait.ge [sflag:s4], $0x0  }
0x19: {  	s7 =	sld [smem:$0x3F9A]  }
0x1a: {  	s8 =	sadd.s32 $0xFFFFE003, lr  }
0x1b: {  	s9 =	sadd.s32 $0xFFFFFEF7, lr;
	s5 =	simm.s32 $0xFFFFFFFF;
	p2 =	slt.u32 s8, $0xFFFFF086  }
0x1c: {  	p1 =	slt.u32 s9, $0xF7A;
	s5 =	simm.s32 @!p2 $0x0  }
0x1d: {  	s5 =	simm.s32 @p1 $0x1;
	p0 =	seq.s32 s7, s2  }
0x1e: {  	s7 =	smul.u32 @!p0 $0xF7A, s2;
	p2 =	seq.s32 @!p0 s5, $0x0  }
0x1f: {  	s9 =	smul.u32 $0xF7A, s1;
	s8 =	simm.s32 @!p0 $0x1BF5;
	p2 =	por !p2, p0  }
0x20: {  	[sflag:s8] =	ssyncset.s32 @!p0 $0xFFFFF086;
	s6 =	sadd.s32 @!p0 s3, s7;
	s7 =	simm.s32 @!p0 $0x108  }
0x21: {  	s3 =	sadd.s32 s3, s9;
	s6 =	sadd.s32 @!p0 $0x88, s6;
	s7 =	simm.s32 @p2 $0x1082  }
0x22: {  	[simem:s7], [sflag:s8] =	dma.local @!p0 [hbm:s6], $0xF7A  }
0x23: {  	s9 =	sor.u32 $0xD0000000, s2;
	s6 =	simm.s32 $0x108;
	_ =	swait.ge @!p0 [sflag:s8], $0x0  }
0x24: {  	s3 =	sadd.s32 $0x88, s3;
	s6 =	simm.s32 @!p1 $0x1082;
	[sflag:s4] =	ssyncset.s32 $0xFFFFF086  }
0x25: {  	[simem:s6], [sflag:s4] =	dma.local [hbm:s3], $0xF7A  }
0x26: {  	[smem:$0x3F9A] =	sst s1;
	(tag) =	ssettag s2;
	_ =	strace s9  }
0x27: {  	s1 =	sld [smem:$0x3FAA]  }
0x28: {  	s2 =	sld [smem:$0x3FAB]  }
0x29: {  	s4 =	sld [smem:$0x3FAD]  }
0x2a: {  	p0 =	seq.s32 s5, $0x0;
	s5 =	sld [smem:$0x3FAE]  }
0x2b: {  	s6 =	sld [smem:$0x3FAF]  }
0x2c: {  	s7 =	sld [smem:$0x3FB0]  }
0x2d: {  	s3 =	simm.s32 $0x108;
	s8 =	sld [smem:$0x3FB1]  }
0x2e: {  	s3 =	simm.s32 @!p0 $0x1082;
	s9 =	sld [smem:$0x3FB2]  }
0x2f: {  	lr =	sadd.s32 s0, s3;
	s0 =	sld [smem:$0x3FA9]  }
0x30: {  	s3 =	sld [smem:$0x3FAC]  }
0x31: {  	[smem:$0x3FB5] =	sst s10  }
0x32: {  	s10 =	sld [smem:$0x3FB3];
	_ =	sdelay $0x3  }
0x33: {  	p0 =	seq.s32 s10, $0x1;
	s10 =	sld [smem:$0x3FB5];
	_ =	sdelay $0x3  }
0x34: {  	[smem:$0x3FB5] =	sst s10  }
0x35: {  	s10 =	sld [smem:$0x3FB4];
	_ =	sdelay $0x3  }
0x36: {  	p1 =	seq.s32 s10, $0x1;
	s10 =	sld [smem:$0x3FB5];
	_ =	sdelay $0x3  }
0x37: {  	[smem:$0x3FB5] =	sst s10  }
0x38: {  	s10 =	sld [smem:$0x3FB6]  }
0x39: {  	_ = 	snop;
	(pc) =	sbr.ind lr, $3  }
0x3a: {  	_ = 	snop  }
0x3b: {  	_ = 	snop  }
0x3c: {  	p2 =	seq.s32 s10, $0x1;
	s10 =	sld [smem:$0x3FB5]  }
0x3d: {  	_ =	shalt  }
0x3e: {  	_ =	shalt  }
0x3f: {  	_ =	shalt  }
0x40: {  	_ =	shalt  }
0x41: {  	_ =	shalt  }
0x42: {  	_ =	shalt  }
0x43: {  	_ =	shalt  }
0x44: {  	_ =	shalt  }
0x45: {  	_ =	shalt  }
0x46: {  	_ =	shalt  }
0x47: {  	_ =	shalt  }
0x48: {  	_ =	shalt  }
0x49: {  	_ =	shalt  }
0x4a: {  	_ =	shalt  }
0x4b: {  	_ =	shalt  }
0x4c: {  	_ =	shalt  }
0x4d: {  	_ =	shalt  }
0x4e: {  	_ =	shalt  }
0x4f: {  	_ =	shalt  }
0x50: {  	_ =	shalt  }
0x51: {  	_ =	shalt  }
0x52: {  	_ =	shalt  }
0x53: {  	_ =	shalt  }
0x54: {  	_ =	shalt  }
0x55: {  	_ =	shalt  }
0x56: {  	_ =	shalt  }
0x57: {  	_ =	shalt  }
0x58: {  	_ =	shalt  }
0x59: {  	_ =	shalt  }
0x5a: {  	_ =	shalt  }
0x5b: {  	_ =	shalt  }
0x5c: {  	_ =	shalt  }
0x5d: {  	_ =	shalt  }
0x5e: {  	_ =	shalt  }
0x5f: {  	_ =	shalt  }
0x60: {  	_ =	shalt  }
0x61: {  	_ =	shalt  }
0x62: {  	_ =	shalt  }
0x63: {  	_ =	shalt  }
0x64: {  	_ =	shalt  }
0x65: {  	_ =	shalt  }
0x66: {  	_ =	shalt  }
0x67: {  	_ =	shalt  }
0x68: {  	_ =	shalt  }
0x69: {  	_ =	shalt  }
0x6a: {  	_ =	shalt  }
0x6b: {  	_ =	shalt  }
0x6c: {  	_ =	shalt  }
0x6d: {  	_ =	shalt  }
0x6e: {  	_ =	shalt  }
0x6f: {  	_ =	shalt  }
0x70: {  	_ =	shalt  }
0x71: {  	_ =	shalt  }
0x72: {  	_ =	shalt  }
0x73: {  	_ =	shalt  }
0x74: {  	_ =	shalt  }
0x75: {  	_ =	shalt  }
0x76: {  	_ =	shalt  }
0x77: {  	_ =	shalt  }
0x78: {  	_ =	shalt  }
0x79: {  	_ =	shalt  }
0x7a: {  	_ =	shalt  }
0x7b: {  	_ =	shalt  }
0x7c: {  	_ =	shalt  }
0x7d: {  	_ =	shalt  }
0x7e: {  	_ =	shalt  }
0x7f: {  	_ =	shalt  }
0x80: {  	_ =	shalt  }
0x81: {  	_ =	shalt  }
0x82: {  	_ =	shalt  }
0x83: {  	_ =	shalt  }
0x84: {  	_ =	shalt  }
0x85: {  	_ =	shalt  }
0x86: {  	_ =	shalt  }
0x87: {  	_ =	shalt  }
.Lfunc_end0:
.L_simem_size_0:
called_computation_lowered:
.L_overlay_start_0:
0x88: {  	s2 =	sld [smem:$0x3FD9]  }
0x89: {  	s3 =	sld [smem:$0x3FFE];
	_ =	sdelay $0x1  }
0x8a: {  	s1 =	srdreg.scid  }
0x8b: {  	s0 =	sand.u32 $0x1, s1  }
0x8c: {  	s16 =	sshll.u32 s0, $0xA;
	s2 =	sadd.s32 s3, s2  }
0x8d: {  	s2 =	sadd.s32 s2, s16  }
0x8e: {  	[smem:$0x3FC1] =	sst s2  }
0x8f: {  	_ = 	snop  }
0x90: {  	(tm) =	ssettm $0x1  }
0x91: {  	s17 =	sld [smem:$0x3FFB];
	_ =	sdelay $0x3  }
0x92: {  	_ =	strace s17  }
0x93: {  	s2 =	sld [smem:$0x3FFC];
	_ =	sdelay $0x3  }
0x94: {  	_ =	strace s2  }
0x95: {  	s2 =	sld [smem:$0x3FFD];
	_ =	sdelay $0x3  }
0x96: {  	_ =	strace s2  }
0x97: {  	_ =	strace $0x8FFFFFFF  }
0x98: {  	s18 =	sld [smem:$0x3FDB];
	_ =	sdelay $0x1  }
0x99: {  	s19 =	simm.s32 $_scs_section_size  }
0x9a: {  	s4 =	simm.s32 $_size__tile_overlayer_lowered;
	s5 =	simm.s32 $_tile_overlayer_lowered  }
0x9b: {  	s22 =	simm.s32 $0x1BFF;
	s21 =	sshll.u32 s5, $0x1;
	s2 =	sadd.s32 s19, s18  }
0x9c: {  	s6 =	simm.s32 $0x0;
	s20 =	sshll.u32 s4, $0x1;
	s4 =	sadd.s32 s21, s2  }
0x9d: {  	[timem:s6], [sflag:s22] =	dma.local [hbm:s4], s20  }
0x9e: {  	_ =	swait.ge [sflag:s22], s20  }
0x9f: {  	s3 =	ssub.s32 $0x0, s20;
	[sflag:s22] =	ssyncset.done $0x0  }
0xa0: {  	[sflag:s22] =	ssyncadd.s32 s3;
	_ =	sdelay $0x1  }
0xa1: {  	s23 =	simm.s32 $0x1B8B  }
0xa2: {  	_ =	swait.ge [sflag:s23], $0x1  }
0xa3: {  	[sflag:s23] =	ssyncset.done $0x0  }
0xa4: {  	s25 =	simm.s32 $0x1B8E;
	s24 =	sld [smem:$0x3FFE];
	[sflag:s23] =	ssyncadd.s32 $0xFFFFFFFF  }
0xa5: {  	s26 =	simm.s32 $execute0_lowered;
	[smem:$0x3FD2] =	sst s25  }
0xa6: {  	s4 =	sshll.u32 s26, $0x1;
	_ =	strace $0x80000046;
	[dreg:$0x1] =	wrdreg $0xFFFFFFFF  }
0xa7: {  	s28 =	simm.s32 $_size_execute0_lowered;
	s2 =	sadd.s32 s2, s4;
	[dreg:$0x0] =	wrdreg $0x0  }
0xa8: {  	s4 =	sshll.u32 s28, $0x1;
	[dreg:$0x2] =	wrdreg s2  }
0xa9: {  	[dreg:$0x3] =	wrdreg s4  }
0xaa: {  	[dreg:$0x4] =	wrdreg $0xC0  }
0xab: {  	_ =	task [dreg:s6], $0x5FFFF  }
0xac: {  	[dreg:$0x1] =	wrdreg $0xFFFFFFFF  }
0xad: {  	[dreg:$0x0] =	wrdreg $0x60  }
0xae: {  	[dreg:$0x2] =	wrdreg s24  }
0xaf: {  	[dreg:$0x3] =	wrdreg $0x3CD00  }
0xb0: {  	[dreg:$0x4] =	wrdreg $0x9  }
0xb1: {  	_ =	task.clear_ibuf [dreg:s6], $0x5FFFF;
	_ =	strace $0x90000046  }
0xb2: {  	s29 =	simm.s32 $0x9;
	_ =	strace $0x80000048  }
0xb3: {  	_ =	swait.ge [sflag:s29], $0x1  }
0xb4: {  	[sflag:s29] =	ssyncadd.s32 $0xFFFFFFFF  }
0xb5: {  	_ =	strace $0x90000048  }
0xb6: {  	_ =	sfence  }
0xb7: {  	s30 =	sld [smem:$0x0];
	_ =	sdelay $0x2  }
0xb8: {  	s31 =	sshll.u32 s1, $0xD;
	s1 =	sshrl.u32 s1, $0x2  }
0xb9: {  	s3 =	sand.u32 $0x4000, s31;
	s1 =	sadd.s32 s1, s30  }
0xba: {  	s0 =	sor.u32 s3, s0;
	s1 =	sshll.u32 s1, $0x11  }
0xbb: {  	s0 =	sor.u32 s1, s0  }
0xbc: {  	s0 =	sadd.s32 $0x8F2B, s0  }
0xbd: {  	[sflag:s0] =	ssyncadd.remote.s32 $0x1  }
0xbe: {  	_ =	sfence.sel $0xFFFF  }
0xbf: {  	[dreg:$0x0] =	wrdreg $0xFFFFFFFF;
	(pc) =	sbr.abs _section_cstart, $3  }
0xc0: {  	[dreg:$0x1] =	wrdreg $0xFFFFFFFF  }
0xc1: {  	_ =	task.clear_ibuf [dreg:s6], $0x2FFFF;
	_ =	strace $0x9FFFFFFF  }
0xc2: {  	(tm) =	ssettm $0x7FFFFFFF  }
0xc3: {  	_ =	shalt  }
tec
execute0_lowered:
.L_overlay_start_1:
0x0: {  	(tag) =	ssettag $0x1  }
0x1: {  	s0 =	srdreg.scid;
	s5 =	rddreg [dreg:$0x0]  }
0x2: {  	s14 =	stileid.u32;
	s1 =	rddreg [dreg:$0x1]  }
0x3: {  	s2 =	simm.s32 $0x0;
	s12 =	simm.s32 $0x1;
	s13 =	simm.s32 $0x7D  }
0x4: {  	s3 =	sand.u32 $0x1, s0;
	s6 =	smul.u32 $0x2800, s14;
	s0 =	rddreg [dreg:$0x2]  }
0x5: {  	[smem:$0x7FF] =	sst s2;
	s28 =	smul.u32 $0x9C00, s14;
	s8 =	sadd.s32 $0xB800, s5  }
0x6: {  	s9 =	smul.u32 $0x2700, s14;
	p0 =	sne.s32 s14, $0x0;
	s15 =	sshll.u32 s14, $0x6  }
0x7: {  	s14 =	simm.s32 $0x2800;
	s4 =	smul.u32 $0x28000, s3;
	_ =	strace $0x80000047  }
0x8: {  	s29 =	ssub.s32 $0x2, s3;
	s10 =	smul.u32 $0x27100, s3;
	s15 =	sor.u32 $0x1C01, s15  }
0x9: {  	s30 =	sshrl.u32 s28, $0x2;
	s31 =	sshrl.u32 s29, $0x1;
	s3 =	sadd.s32 s9, s1  }
0xa: {  	s4 =	sadd.s32 s6, s4;
	s11 =	ssub.s32 s29, s31;
	s9 =	sadd.s32 s9, s10  }
0xb: {  	s10 =	sshrl.u32 s10, $0x3;
	s6 =	sadd.s32 $0x27000, s1;
	s16 =	sshrl.u32 s3, $0x3  }
0xc: {  	s4 =	sshrl.u32 s4, $0x3;
	s9 =	sshrl.u32 s9, $0x3;
	s10 =	sadd.s32 s8, s10  }
0xd: {  	s7 =	sadd.s32 s4, s5;
	s5 =	sadd.s32 s30, s1;
	s8 =	sadd.s32 s8, s9  }
0xe: {  	s9 =	sadd.s32 $0x4E00, s10;
	s10 =	smax.u32 s11, $0x1;
	s11 =	simm.s32 $0x2FD0  }
0xf: {  	v0 =	vimm.f32 $0.0e+00;
	v1 =	vimm.f32 $1.000000000e+00;
	s4 =	sadd.s32 $0xD00, s5;
	s5 =	sadd.s32 $0x1A00, s5;
	s7 =	sadd.s32 $0x1800, s7  }
.LBB2_1:
0x10: {  	s17 =	simm.s32 $0x40;
	s18 =	simm.s32 $0x0  }
.LBB2_2:
0x11: {  	p1 =	sne.s32 s17, $0x33C0;
	[tilespmem:s18+$0x2FD0] =	vst v0;
	s18 =	smov.u32 s17;
	s17 =	sadd.s32 $0x40, s17  }
.Ltmp0:
0x12: {  	(pc) =	sbr.rel @p1 .LBB2_2-.Ltmp0, $2  }
0x13: {  	_ =	sdelay $0x2  }
0x14: {  	s18 =	sshra.s32 s18, $0x2  }
0x15: {  	[tilespmem:s18+$0x2FD0] =	vst v0  }
0x16: {  	[spmem:s3] =	stream.linear.scatter [tilespmem:s11], [sflag:$0x1], $0xD00, $0x38;
	[tilespmem:$0x63E0] =	vst v63  }
0x17: {  	_ =	swait.ge [sflag:s12], $0xD00  }
0x18: {  	[sflag:s12] =	ssyncset.done $0x0  }
0x19: {  	[sflag:s12] =	ssyncadd.s32 $0xFFFFF300  }
0x1a: {  	[spmem:s4] =	stream.linear.scatter [tilespmem:s11], [sflag:$0x1], $0xD00, $0x38;
	[tilespmem:$0x63E0] =	vst v63  }
0x1b: {  	_ =	swait.ge [sflag:s12], $0xD00  }
0x1c: {  	[sflag:s12] =	ssyncset.done $0x0  }
0x1d: {  	[sflag:s12] =	ssyncadd.s32 $0xFFFFF300  }
0x1e: {  	[spmem:s5] =	stream.linear.scatter [tilespmem:s11], [sflag:$0x1], $0xD00, $0x38;
	[tilespmem:$0x63E0] =	vst v63  }
0x1f: {  	_ =	swait.ge [sflag:s12], $0xD00  }
0x20: {  	[sflag:s12] =	ssyncset.done $0x0  }
0x21: {  	s17 =	simm.s32 @!p0 $0x2FD0;
	[sflag:s12] =	ssyncadd.s32 $0xFFFFF300  }
0x22: {  	[spmem:s6] =	stream.linear.scatter @!p0 [tilespmem:s17], [sflag:$0x1], $0x100, $0x38;
	[tilespmem:$0x63E0] =	vst v63  }
0x23: {  	s17 =	simm.s32 @!p0 $0x1  }
0x24: {  	_ =	swait.ge @!p0 [sflag:s17], $0x100  }
0x25: {  	[sflag:s17] =	ssyncset.done @!p0 $0x0  }
0x26: {  	[sflag:s17] =	ssyncadd.s32 @!p0 $0xFFFFFF00  }
0x27: {  	s18 =	simm.s32 $0x0;
	s17 =	simm.s32 $0x40;
	[bflag:$0x0] =	sbarrier.arrive $0xFFFF  }
.LBB2_4:
0x28: {  	p1 =	sne.s32 s17, $0x1F00;
	[tilespmem:s18+$0x2800] =	vst v1;
	s18 =	smov.u32 s17;
	s17 =	sadd.s32 $0x40, s17  }
.Ltmp1:
0x29: {  	(pc) =	sbr.rel @p1 .LBB2_4-.Ltmp1, $2  }
0x2a: {  	_ =	sdelay $0x2  }
0x2b: {  	s18 =	sshra.s32 s18, $0x2  }
0x2c: {  	[tilespmem:s18+$0x2800] =	vst v1;
	s17 =	simm.s32 $0x0  }
0x2d: {  	[tilespmem:s17], [sflag:$0x1] =	stream.linear.gather [hbm4b:s7+s17], $0x2800, $0x38;
	[tilespmem:$0x63E0] =	vst v63  }
0x2e: {  	_ =	swait.ge [sflag:s12], $0x2800  }
0x2f: {  	[sflag:s12] =	ssyncset.done $0x0  }
0x30: {  	s31 =	simm.s32 $0x0;
	[sflag:s12] =	ssyncadd.s32 $0xFFFFD800  }
0x31: {  	[spmem:s1] =	stream.indirect.scatter.add.f32 [tilespmem:s14], [sflag:$0x1], $0x10, s31, s13, $0xb8;
	[tilespmem:$0x63E0] =	vst v63  }
0x32: {  	_ =	swait.ge [sflag:s12], $0x7D0  }
0x33: {  	s17 =	simm.s32 $0x200;
	[sflag:s12] =	ssyncset.done $0x0  }
.LBB2_6:
0x34: {  	s18 =	sshra.s32 s17, $0x2;
	[sflag:s12] =	ssyncadd.s32 $0xFFFFF830;
	p1 =	sne.s32 s17, $0x9E00  }
0x35: {  	[spmem:s1] =	stream.indirect.scatter.add.f32 [tilespmem:s14], [sflag:$0x1], $0x10, s18, s13, $0xb8;
	[tilespmem:$0x63E0] =	vst v63  }
.Ltmp2:
0x36: {  	_ = 	snop;
	(pc) =	sbr.rel @p1 .LBB2_6-.Ltmp2, $4  }
0x37: {  	_ = 	snop  }
0x38: {  	s17 =	sadd.s32 $0x200, s17  }
0x39: {  	_ =	swait.ge [sflag:s12], $0x7D0  }
0x3a: {  	[sflag:s12] =	ssyncset.done $0x0  }
0x3b: {  	[sflag:s12] =	ssyncadd.s32 $0xFFFFF830  }
0x3c: {  	[bflag:$0x0] =	sbarrier.arrive $0xFFFF  }
0x3d: {  	[hbm:s8], [sflag:s15] =	dma.local [spmem:s16], $0x4E0  }
0x3e: {  	_ =	swait.ge [sflag:s12], $0x4E0  }
0x3f: {  	s2 =	sadd.s32 $0x1, s2;
	[sflag:s12] =	ssyncset.done $0x0  }
0x40: {  	s17 =	sshrl.u32 @!p0 s6, $0x3;
	p1 =	sne.s32 s2, s10;
	[sflag:s12] =	ssyncadd.s32 $0xFFFFFB20  }
0x41: {  	[hbm:s9], [sflag:s15] =	dma.local @!p0 [spmem:s17], $0x20  }
.Ltmp3:
0x42: {  	_ = 	snop;
	(pc) =	sbr.rel @p1 .LBB2_1-.Ltmp3, $4  }
0x43: {  	s17 =	simm.s32 @!p0 $0x1  }
0x44: {  	_ =	swait.ge @!p0 [sflag:s17], $0x20  }
0x45: {  	[sflag:s17] =	ssyncset.done @!p0 $0x0  }
0x46: {  	[sflag:s17] =	ssyncadd.s32 @!p0 $0xFFFFFFE0  }
0x47: {  	_ =	sfence.sel $0x180000  }
0x48: {  	[bflag:$0x0] =	sbarrier.arrive $0xFFFF  }
0x49: {  	_ =	strace $0x90000047  }
0x4a: {  	s0 =	sadd.s32 @!p0 $0x100000, s0;
	[bflag:$0x2] =	sbarrier.arrive $0xFFFF  }
0x4b: {  	[sflag:s0] =	ssyncadd.tile.s32 @!p0 $0x1;
	_ =	shalt  }
.Lfunc_end2:
_tile_overlayer_lowered:
.L_overlay_start_2:
0x4c: {  	(tag) =	ssettag $0x2  }
0x4d: {  	s0 =	rddreg [dreg:$0x0];
	s2 =	stileid.u32  }
0x4e: {  	s1 =	rddreg [dreg:$0x1];
	p0 =	sne.s32 s2, $0x0  }
0x4f: {  	s3 =	rddreg [dreg:$0x2];
	[bflag:$0x3] =	sbarrier.arrive $0xFFFF;
	s2 =	simm.s32 @!p0 $0x1C01  }
0x50: {  	[timem:s3], [sflag:s2] =	dma.local @!p0 [hbm:s0], s1  }
0x51: {  	s0 =	simm.s32 @!p0 $0x1  }
0x52: {  	_ =	swait.ge @!p0 [sflag:s0], s1  }
0x53: {  	s1 =	ssub.s32 @!p0 $0x0, s1;
	[sflag:s0] =	ssyncset.done @!p0 $0x0  }
0x54: {  	[sflag:s0] =	ssyncadd.s32 @!p0 s1  }
0x55: {  	[bflag:$0x3] =	sbarrier.arrive $0xFFFF  }
0x56: {  	_ =	shalt  }

</sc_bundles>
